<compile_context>
chip_gen: v7x
topology: tpu7x:2x2x1
jax: 0.10.2.dev20260603
libtpu: 0.0.44.dev20260713+nightly
codegen_flags: <defaults>
</compile_context>

<pallas_src>
import functools

import jax
import jax.numpy as jnp
from jax import lax
from jax.experimental import pallas as pl
from jax.experimental.pallas import tpu as pltpu
from jax.experimental.pallas import tpu_sc as plsc

_B, _C, _N, _K = 4, 64, 16384, 16
_OUT = 64
_BN = _B * _N
_KO = _K * _OUT
_NW = 32
_PTS_W = _BN // _NW
_CH = 64
_ROWS = _CH * _K
_NCHUNK = _PTS_W // _CH
_GSUB = 128
_NG = _ROWS // _GSUB
_BM = 1024


def _mm_body(t_ref, w_ref, b_ref, y_ref):
    res = (
        jnp.dot(t_ref[...], w_ref[...], preferred_element_type=jnp.float32)
        + b_ref[...]
    )
    u = jax.lax.bitcast_convert_type(res, jnp.uint32) + jnp.uint32(0x8000)
    lo = u[:, : _KO // 2] >> 16
    hi = u[:, _KO // 2:] & jnp.uint32(0xFFFF0000)
    y_ref[...] = lo | hi


def _matmul_y(table, wall, ball):
    return pl.pallas_call(
        _mm_body,
        grid=(_BN // _BM,),
        in_specs=[
            pl.BlockSpec((_BM, _C), lambda m: (m, 0)),
            pl.BlockSpec((_C, _KO), lambda m: (0, 0)),
            pl.BlockSpec((1, _KO), lambda m: (0, 0)),
        ],
        out_specs=pl.BlockSpec((_BM, _KO // 2), lambda m: (m, 0)),
        out_shape=jax.ShapeDtypeStruct((_BN, _KO // 2), jnp.uint32),
    )(table, wall, ball)


_W2 = _OUT // 2


def _sc_gather_reduce(yr, idx2):
    mesh = plsc.VectorSubcoreMesh(core_axis_name="c", subcore_axis_name="s")

    @functools.partial(
        pl.kernel,
        out_type=jax.ShapeDtypeStruct((_BN, _W2), jnp.uint32),
        mesh=mesh,
        scratch_types=[
            pltpu.VMEM((2, _ROWS), jnp.int32),
            pltpu.VMEM((2, _ROWS, _W2), jnp.uint32),
            pltpu.VMEM((_CH, _W2), jnp.uint32),
            pltpu.SemaphoreType.DMA,
            pltpu.SemaphoreType.DMA,
        ],
        compiler_params=pltpu.CompilerParams(
            use_tc_tiling_on_sc=False, needs_layout_passes=False
        ),
    )
    def k(yr_hbm, idx_hbm, out_hbm, idx_v, rows_v, out_v, sem0, sem1):
        wid = lax.axis_index("s") * 2 + lax.axis_index("c")
        base0 = wid * _PTS_W
        sems = (sem0, sem1)

        def fire(buf, base_pt, sem):
            pltpu.sync_copy(
                idx_hbm.at[pl.ds(base_pt * _K, _ROWS)], idx_v.at[buf]
            )
            for g in range(_NG):
                pltpu.async_copy(
                    yr_hbm.at[idx_v.at[buf, pl.ds(g * _GSUB, _GSUB)]],
                    rows_v.at[buf, pl.ds(g * _GSUB, _GSUB)],
                    sem,
                )

        def compute(buf, base_pt):
            pltpu.make_async_copy(
                yr_hbm.at[idx_v.at[buf]], rows_v.at[buf], sems[buf]
            ).wait()

            zero = jnp.zeros((32,), jnp.bfloat16)

            def pt_body(p, c2):
                row0 = p * _K
                for c0 in range(0, _W2, 16):
                    s = [
                        plsc.bitcast(
                            rows_v[buf, row0 + kk, pl.ds(c0, 16)],
                            jnp.bfloat16,
                        )
                        for kk in range(_K)
                    ]
                    while len(s) > 1:
                        s = [a + b for a, b in zip(s[::2], s[1::2])]
                    out_v[p, pl.ds(c0, 16)] = plsc.bitcast(
                        jnp.maximum(s[0], zero), jnp.uint32
                    )
                return c2

            lax.fori_loop(0, _CH, pt_body, 0)
            pltpu.sync_copy(out_v, out_hbm.at[pl.ds(base_pt, _CH)])

        fire(0, base0, sem0)

        def chunk2(ci2, carry):
            base_pt = base0 + ci2 * 2 * _CH
            fire(1, base_pt + _CH, sem1)
            compute(0, base_pt)

            @pl.when(ci2 + 1 < _NCHUNK // 2)
            def _():
                fire(0, base_pt + 2 * _CH, sem0)

            compute(1, base_pt + _CH)
            return carry

        lax.fori_loop(0, _NCHUNK // 2, chunk2, 0)

    return k(yr, idx2)


def kernel(feature, idx, W, b):
    table = feature.transpose(0, 2, 1).reshape(_BN, _C)
    wall = (
        W.reshape(_OUT, _K, _C)
        .transpose(2, 1, 0)
        .reshape(_C, _K, 2, _OUT // 2)
        .transpose(0, 2, 1, 3)
        .reshape(_C, _KO)
    )
    ball = jnp.broadcast_to(
        (b / _K).reshape(2, 1, _OUT // 2), (2, _K, _OUT // 2)
    ).reshape(1, _KO)

    y = _matmul_y(table, wall, ball)
    yr = y.reshape(_BN * _K, _W2)

    idx32 = idx[:, :, :_K].astype(jnp.int32)
    boff = (jnp.arange(_B, dtype=jnp.int32) * _N)[:, None, None]
    koff = jnp.arange(_K, dtype=jnp.int32)[None, None, :]
    idx2 = ((idx32 + boff) * _K + koff).reshape(_BN * _K)

    out2 = _sc_gather_reduce(yr, idx2)
    out_bf = jax.lax.bitcast_convert_type(out2, jnp.bfloat16)
    out64 = jnp.concatenate([out_bf[:, :, 0], out_bf[:, :, 1]], axis=-1)
    return (
        out64.reshape(_B, _N, _OUT).transpose(0, 2, 1).astype(jnp.float32)
    )

# --- scband reference (transcript-rebuilt; emitter-appended) ---
"""Pipeline reference for scband-point-conv-76175539962311 (READ-ONLY COPY).

The authoritative reference and input builder live on the scoring server;
editing this copy changes nothing except your own understanding.
"""

import jax, jax.numpy as jnp
import numpy as np

B, C, N, K = 4, 64, 16384, 16
OUT = 64

def setup_inputs(seed: int = 0) -> dict:
    key = jax.random.key(seed)
    k1, k2, k3, k4 = jax.random.split(key, 4)
    feature = jax.random.normal(k1, (B, C, N), dtype=jnp.float32)
    idx = jax.random.randint(k2, (B, N, K), 0, N, dtype=jnp.int64)
    # MlpConv: single Conv1d(kernel=1) layer: in = C*K = 1024, out = 64, followed by ReLU
    fan_in = C * K
    W = jax.random.normal(k3, (OUT, fan_in), dtype=jnp.float32) * (1.0 / np.sqrt(fan_in))
    b = jax.random.normal(k4, (OUT,), dtype=jnp.float32) * 0.01
    return {"feature": feature, "idx": idx, "W": W, "b": b}

def _group(feature, idx):
    # feature: [B, C, N], idx: [B, N, K] -> grouped: [B, C, N, K]
    return jax.vmap(lambda f, i: f[:, i])(feature, idx)

def reference(feature, idx, W, b):
    Bc, Cc, Nc = feature.shape
    idx = idx[:, :, :K]
    grouped = _group(feature, idx)                 # [B, C, N, K]
    grouped = jnp.transpose(grouped, (0, 2, 3, 1))  # [B, N, K, C]
    grouped = grouped.reshape(Bc, Nc, -1)           # [B, N, K*C]
    grouped = jnp.transpose(grouped, (0, 2, 1))     # [B, K*C, N]
    # MlpConv: Conv1d kernel-size 1 + ReLU
    out = jnp.einsum('oi,bin->bon', W, grouped) + b[None, :, None]
    out = jax.nn.relu(out)
    return out

if __name__ == "__main__":
    import jax
    _d = setup_inputs()
    print(jax.jit(kernel)(*tuple(_d.values())))

</pallas_src>

<mosaic_0001>
#map = affine_map<(d0, d1) -> (0, 0)>
#map1 = affine_map<(d0, d1) -> (0)>
module attributes {stable_mosaic.version = 14 : i64} {
  func.func @k(%arg0: i32, %arg1: i32, %arg2: memref<1048576x32xi32, #tpu.memory_space<hbm>>, %arg3: memref<1048576xi32, #tpu.memory_space<hbm>>, %arg4: memref<65536x32xi32, #tpu.memory_space<hbm>>, %arg5: memref<2x1024xi32, #tpu.memory_space<vmem>>, %arg6: memref<2x1024x32xi32, #tpu.memory_space<vmem>>, %arg7: memref<64x32xi32, #tpu.memory_space<vmem>>, %arg8: memref<!tpu.dma_semaphore, #tpu.memory_space<semaphore_mem>>, %arg9: memref<!tpu.dma_semaphore, #tpu.memory_space<semaphore_mem>>) attributes {dimension_semantics = [#tpu.dimension_semantics<core_parallel>, #tpu.dimension_semantics<subcore_parallel>], iteration_bounds = array<i64: 2, 16>, scalar_prefetch = 0 : i64, scratch_operands = 5 : i64, tpu.core_type = #tpu.core_type<sc_vector_subcore>, window_params = [{transform_indices = #map}, {transform_indices = #map1}, {transform_indices = #map}]} {
    %mul3A = arith.constant 2 : i32
    %mul3A_0 = arith.muli %arg1, %mul3A : i32
    %add3A = arith.addi %mul3A_0, %arg0 : i32
    %mul3A_1 = arith.constant 2048 : i32
    %mul3A_2 = arith.muli %add3A, %mul3A_1 : i32
    %mul3A_3 = arith.constant 16 : i32
    %mul3A_4 = arith.muli %mul3A_2, %mul3A_3 : i32
    %run_scoped3A = arith.constant 0 : i32
    "tpu.region"() ({
      %run_scoped3A_105 = tpu.sem_alloc : memref<!tpu.dma_semaphore, #tpu.memory_space<semaphore_mem>>
      %dma_start3A_106 = arith.constant 0 : i32
      %dma_start3A_107 = tpu.memref_slice %arg5[%run_scoped3A, %dma_start3A_106] : memref<2x1024xi32, #tpu.memory_space<vmem>> -> memref<1x1024xi32, #tpu.memory_space<vmem>>
      %dma_start3A_108 = tpu.memref_squeeze %dma_start3A_107 : memref<1x1024xi32, #tpu.memory_space<vmem>> -> memref<1024xi32, #tpu.memory_space<vmem>>
      %dma_start3A_109 = tpu.memref_slice %arg3[%mul3A_4] : memref<1048576xi32, #tpu.memory_space<hbm>> -> memref<1024xi32, #tpu.memory_space<hbm>>
      %dma_start3A_110 = arith.constant 0 : i32
      %dma_start3A_111 = tpu.memref_slice %arg5[%run_scoped3A, %dma_start3A_110] : memref<2x1024xi32, #tpu.memory_space<vmem>> -> memref<1x1024xi32, #tpu.memory_space<vmem>>
      %dma_start3A_112 = tpu.memref_squeeze %dma_start3A_111 : memref<1x1024xi32, #tpu.memory_space<vmem>> -> memref<1024xi32, #tpu.memory_space<vmem>>
      %dma_start3A_113 = tpu.memref_slice %arg3[%mul3A_4] : memref<1048576xi32, #tpu.memory_space<hbm>> -> memref<1024xi32, #tpu.memory_space<hbm>>
      tpu.enqueue_dma source(%dma_start3A_113 : memref<1024xi32, #tpu.memory_space<hbm>>) target(%dma_start3A_112 : memref<1024xi32, #tpu.memory_space<vmem>>) target_semaphore(%run_scoped3A_105 : memref<!tpu.dma_semaphore, #tpu.memory_space<semaphore_mem>>)
      %dma_wait3A = arith.constant 0 : i32
      %dma_wait3A_114 = tpu.memref_slice %arg5[%run_scoped3A, %dma_wait3A] : memref<2x1024xi32, #tpu.memory_space<vmem>> -> memref<1x1024xi32, #tpu.memory_space<vmem>>
      %dma_wait3A_115 = tpu.memref_squeeze %dma_wait3A_114 : memref<1x1024xi32, #tpu.memory_space<vmem>> -> memref<1024xi32, #tpu.memory_space<vmem>>
      %dma_wait3A_116 = tpu.memref_slice %arg3[%mul3A_4] : memref<1048576xi32, #tpu.memory_space<hbm>> -> memref<1024xi32, #tpu.memory_space<hbm>>
      %dma_wait3A_117 = arith.constant 0 : i32
      %dma_wait3A_118 = tpu.memref_slice %arg5[%run_scoped3A, %dma_wait3A_117] : memref<2x1024xi32, #tpu.memory_space<vmem>> -> memref<1x1024xi32, #tpu.memory_space<vmem>>
      %dma_wait3A_119 = tpu.memref_squeeze %dma_wait3A_118 : memref<1x1024xi32, #tpu.memory_space<vmem>> -> memref<1024xi32, #tpu.memory_space<vmem>>
      %dma_wait3A_120 = tpu.memref_slice %arg3[%mul3A_4] : memref<1048576xi32, #tpu.memory_space<hbm>> -> memref<1024xi32, #tpu.memory_space<hbm>>
      tpu.wait_dma2 semaphore(%run_scoped3A_105 : memref<!tpu.dma_semaphore, #tpu.memory_space<semaphore_mem>>) src(%dma_wait3A_120 : memref<1024xi32, #tpu.memory_space<hbm>>) dst(%dma_wait3A_119 : memref<1024xi32, #tpu.memory_space<vmem>>)
      tpu.yield
    }) : () -> ()
    %dma_start3A = arith.constant 0 : i32
    %dma_start3A_5 = arith.constant 0 : i32
    %dma_start3A_6 = arith.constant 0 : i32
    %dma_start3A_7 = arith.constant 0 : i32
    %dma_start3A_8 = tpu.memref_slice %arg6[%dma_start3A_5, %dma_start3A_6, %dma_start3A_7] : memref<2x1024x32xi32, #tpu.memory_space<vmem>> -> memref<1x128x32xi32, #tpu.memory_space<vmem>>
    %dma_start3A_9 = tpu.memref_squeeze %dma_start3A_8 : memref<1x128x32xi32, #tpu.memory_space<vmem>> -> memref<128x32xi32, #tpu.memory_space<vmem>>
    %dma_start3A_10 = arith.constant 0 : i32
    %dma_start3A_11 = tpu.memref_slice %arg5[%dma_start3A, %dma_start3A_10] : memref<2x1024xi32, #tpu.memory_space<vmem>> -> memref<1x128xi32, #tpu.memory_space<vmem>>
    %dma_start3A_12 = tpu.memref_squeeze %dma_start3A_11 : memref<1x128xi32, #tpu.memory_space<vmem>> -> memref<128xi32, #tpu.memory_space<vmem>>
    %dma_start3A_13 = arith.constant 0 : i32
    %dma_start3A_14 = arith.constant 0 : i32
    %dma_start3A_15 = tpu.memref_slice %arg2[%dma_start3A_13, %dma_start3A_14] : memref<1048576x32xi32, #tpu.memory_space<hbm>> -> memref<1048576x32xi32, #tpu.memory_space<hbm>>
    tpu.enqueue_indirect_dma source(%dma_start3A_15 : memref<1048576x32xi32, #tpu.memory_space<hbm>>) target(%dma_start3A_9 : memref<128x32xi32, #tpu.memory_space<vmem>>) offsets(%dma_start3A_12 : memref<128xi32, #tpu.memory_space<vmem>>) semaphore(%arg8 : memref<!tpu.dma_semaphore, #tpu.memory_space<semaphore_mem>>)
    %dma_start3A_16 = arith.constant 0 : i32
    %dma_start3A_17 = arith.constant 0 : i32
    %dma_start3A_18 = arith.constant 128 : i32
    %dma_start3A_19 = arith.constant 0 : i32
    %dma_start3A_20 = tpu.memref_slice %arg6[%dma_start3A_17, %dma_start3A_18, %dma_start3A_19] : memref<2x1024x32xi32, #tpu.memory_space<vmem>> -> memref<1x128x32xi32, #tpu.memory_space<vmem>>
    %dma_start3A_21 = tpu.memref_squeeze %dma_start3A_20 : memref<1x128x32xi32, #tpu.memory_space<vmem>> -> memref<128x32xi32, #tpu.memory_space<vmem>>
    %dma_start3A_22 = arith.constant 128 : i32
    %dma_start3A_23 = tpu.memref_slice %arg5[%dma_start3A_16, %dma_start3A_22] : memref<2x1024xi32, #tpu.memory_space<vmem>> -> memref<1x128xi32, #tpu.memory_space<vmem>>
    %dma_start3A_24 = tpu.memref_squeeze %dma_start3A_23 : memref<1x128xi32, #tpu.memory_space<vmem>> -> memref<128xi32, #tpu.memory_space<vmem>>
    %dma_start3A_25 = arith.constant 0 : i32
    %dma_start3A_26 = arith.constant 0 : i32
    %dma_start3A_27 = tpu.memref_slice %arg2[%dma_start3A_25, %dma_start3A_26] : memref<1048576x32xi32, #tpu.memory_space<hbm>> -> memref<1048576x32xi32, #tpu.memory_space<hbm>>
    tpu.enqueue_indirect_dma source(%dma_start3A_27 : memref<1048576x32xi32, #tpu.memory_space<hbm>>) target(%dma_start3A_21 : memref<128x32xi32, #tpu.memory_space<vmem>>) offsets(%dma_start3A_24 : memref<128xi32, #tpu.memory_space<vmem>>) semaphore(%arg8 : memref<!tpu.dma_semaphore, #tpu.memory_space<semaphore_mem>>)
    %dma_start3A_28 = arith.constant 0 : i32
    %dma_start3A_29 = arith.constant 0 : i32
    %dma_start3A_30 = arith.constant 256 : i32
    %dma_start3A_31 = arith.constant 0 : i32
    %dma_start3A_32 = tpu.memref_slice %arg6[%dma_start3A_29, %dma_start3A_30, %dma_start3A_31] : memref<2x1024x32xi32, #tpu.memory_space<vmem>> -> memref<1x128x32xi32, #tpu.memory_space<vmem>>
    %dma_start3A_33 = tpu.memref_squeeze %dma_start3A_32 : memref<1x128x32xi32, #tpu.memory_space<vmem>> -> memref<128x32xi32, #tpu.memory_space<vmem>>
    %dma_start3A_34 = arith.constant 256 : i32
    %dma_start3A_35 = tpu.memref_slice %arg5[%dma_start3A_28, %dma_start3A_34] : memref<2x1024xi32, #tpu.memory_space<vmem>> -> memref<1x128xi32, #tpu.memory_space<vmem>>
    %dma_start3A_36 = tpu.memref_squeeze %dma_start3A_35 : memref<1x128xi32, #tpu.memory_space<vmem>> -> memref<128xi32, #tpu.memory_space<vmem>>
    %dma_start3A_37 = arith.constant 0 : i32
    %dma_start3A_38 = arith.constant 0 : i32
    %dma_start3A_39 = tpu.memref_slice %arg2[%dma_start3A_37, %dma_start3A_38] : memref<1048576x32xi32, #tpu.memory_space<hbm>> -> memref<1048576x32xi32, #tpu.memory_space<hbm>>
    tpu.enqueue_indirect_dma source(%dma_start3A_39 : memref<1048576x32xi32, #tpu.memory_space<hbm>>) target(%dma_start3A_33 : memref<128x32xi32, #tpu.memory_space<vmem>>) offsets(%dma_start3A_36 : memref<128xi32, #tpu.memory_space<vmem>>) semaphore(%arg8 : memref<!tpu.dma_semaphore, #tpu.memory_space<semaphore_mem>>)
    %dma_start3A_40 = arith.constant 0 : i32
    %dma_start3A_41 = arith.constant 0 : i32
    %dma_start3A_42 = arith.constant 384 : i32
    %dma_start3A_43 = arith.constant 0 : i32
    %dma_start3A_44 = tpu.memref_slice %arg6[%dma_start3A_41, %dma_start3A_42, %dma_start3A_43] : memref<2x1024x32xi32, #tpu.memory_space<vmem>> -> memref<1x128x32xi32, #tpu.memory_space<vmem>>
    %dma_start3A_45 = tpu.memref_squeeze %dma_start3A_44 : memref<1x128x32xi32, #tpu.memory_space<vmem>> -> memref<128x32xi32, #tpu.memory_space<vmem>>
    %dma_start3A_46 = arith.constant 384 : i32
    %dma_start3A_47 = tpu.memref_slice %arg5[%dma_start3A_40, %dma_start3A_46] : memref<2x1024xi32, #tpu.memory_space<vmem>> -> memref<1x128xi32, #tpu.memory_space<vmem>>
    %dma_start3A_48 = tpu.memref_squeeze %dma_start3A_47 : memref<1x128xi32, #tpu.memory_space<vmem>> -> memref<128xi32, #tpu.memory_space<vmem>>
    %dma_start3A_49 = arith.constant 0 : i32
    %dma_start3A_50 = arith.constant 0 : i32
    %dma_start3A_51 = tpu.memref_slice %arg2[%dma_start3A_49, %dma_start3A_50] : memref<1048576x32xi32, #tpu.memory_space<hbm>> -> memref<1048576x32xi32, #tpu.memory_space<hbm>>
    tpu.enqueue_indirect_dma source(%dma_start3A_51 : memref<1048576x32xi32, #tpu.memory_space<hbm>>) target(%dma_start3A_45 : memref<128x32xi32, #tpu.memory_space<vmem>>) offsets(%dma_start3A_48 : memref<128xi32, #tpu.memory_space<vmem>>) semaphore(%arg8 : memref<!tpu.dma_semaphore, #tpu.memory_space<semaphore_mem>>)
    %dma_start3A_52 = arith.constant 0 : i32
    %dma_start3A_53 = arith.constant 0 : i32
    %dma_start3A_54 = arith.constant 512 : i32
    %dma_start3A_55 = arith.constant 0 : i32
    %dma_start3A_56 = tpu.memref_slice %arg6[%dma_start3A_53, %dma_start3A_54, %dma_start3A_55] : memref<2x1024x32xi32, #tpu.memory_space<vmem>> -> memref<1x128x32xi32, #tpu.memory_space<vmem>>
    %dma_start3A_57 = tpu.memref_squeeze %dma_start3A_56 : memref<1x128x32xi32, #tpu.memory_space<vmem>> -> memref<128x32xi32, #tpu.memory_space<vmem>>
    %dma_start3A_58 = arith.constant 512 : i32
    %dma_start3A_59 = tpu.memref_slice %arg5[%dma_start3A_52, %dma_start3A_58] : memref<2x1024xi32, #tpu.memory_space<vmem>> -> memref<1x128xi32, #tpu.memory_space<vmem>>
    %dma_start3A_60 = tpu.memref_squeeze %dma_start3A_59 : memref<1x128xi32, #tpu.memory_space<vmem>> -> memref<128xi32, #tpu.memory_space<vmem>>
    %dma_start3A_61 = arith.constant 0 : i32
    %dma_start3A_62 = arith.constant 0 : i32
    %dma_start3A_63 = tpu.memref_slice %arg2[%dma_start3A_61, %dma_start3A_62] : memref<1048576x32xi32, #tpu.memory_space<hbm>> -> memref<1048576x32xi32, #tpu.memory_space<hbm>>
    tpu.enqueue_indirect_dma source(%dma_start3A_63 : memref<1048576x32xi32, #tpu.memory_space<hbm>>) target(%dma_start3A_57 : memref<128x32xi32, #tpu.memory_space<vmem>>) offsets(%dma_start3A_60 : memref<128xi32, #tpu.memory_space<vmem>>) semaphore(%arg8 : memref<!tpu.dma_semaphore, #tpu.memory_space<semaphore_mem>>)
    %dma_start3A_64 = arith.constant 0 : i32
    %dma_start3A_65 = arith.constant 0 : i32
    %dma_start3A_66 = arith.constant 640 : i32
    %dma_start3A_67 = arith.constant 0 : i32
    %dma_start3A_68 = tpu.memref_slice %arg6[%dma_start3A_65, %dma_start3A_66, %dma_start3A_67] : memref<2x1024x32xi32, #tpu.memory_space<vmem>> -> memref<1x128x32xi32, #tpu.memory_space<vmem>>
    %dma_start3A_69 = tpu.memref_squeeze %dma_start3A_68 : memref<1x128x32xi32, #tpu.memory_space<vmem>> -> memref<128x32xi32, #tpu.memory_space<vmem>>
    %dma_start3A_70 = arith.constant 640 : i32
    %dma_start3A_71 = tpu.memref_slice %arg5[%dma_start3A_64, %dma_start3A_70] : memref<2x1024xi32, #tpu.memory_space<vmem>> -> memref<1x128xi32, #tpu.memory_space<vmem>>
    %dma_start3A_72 = tpu.memref_squeeze %dma_start3A_71 : memref<1x128xi32, #tpu.memory_space<vmem>> -> memref<128xi32, #tpu.memory_space<vmem>>
    %dma_start3A_73 = arith.constant 0 : i32
    %dma_start3A_74 = arith.constant 0 : i32
    %dma_start3A_75 = tpu.memref_slice %arg2[%dma_start3A_73, %dma_start3A_74] : memref<1048576x32xi32, #tpu.memory_space<hbm>> -> memref<1048576x32xi32, #tpu.memory_space<hbm>>
    tpu.enqueue_indirect_dma source(%dma_start3A_75 : memref<1048576x32xi32, #tpu.memory_space<hbm>>) target(%dma_start3A_69 : memref<128x32xi32, #tpu.memory_space<vmem>>) offsets(%dma_start3A_72 : memref<128xi32, #tpu.memory_space<vmem>>) semaphore(%arg8 : memref<!tpu.dma_semaphore, #tpu.memory_space<semaphore_mem>>)
    %dma_start3A_76 = arith.constant 0 : i32
    %dma_start3A_77 = arith.constant 0 : i32
    %dma_start3A_78 = arith.constant 768 : i32
    %dma_start3A_79 = arith.constant 0 : i32
    %dma_start3A_80 = tpu.memref_slice %arg6[%dma_start3A_77, %dma_start3A_78, %dma_start3A_79] : memref<2x1024x32xi32, #tpu.memory_space<vmem>> -> memref<1x128x32xi32, #tpu.memory_space<vmem>>
    %dma_start3A_81 = tpu.memref_squeeze %dma_start3A_80 : memref<1x128x32xi32, #tpu.memory_space<vmem>> -> memref<128x32xi32, #tpu.memory_space<vmem>>
    %dma_start3A_82 = arith.constant 768 : i32
    %dma_start3A_83 = tpu.memref_slice %arg5[%dma_start3A_76, %dma_start3A_82] : memref<2x1024xi32, #tpu.memory_space<vmem>> -> memref<1x128xi32, #tpu.memory_space<vmem>>
    %dma_start3A_84 = tpu.memref_squeeze %dma_start3A_83 : memref<1x128xi32, #tpu.memory_space<vmem>> -> memref<128xi32, #tpu.memory_space<vmem>>
    %dma_start3A_85 = arith.constant 0 : i32
    %dma_start3A_86 = arith.constant 0 : i32
    %dma_start3A_87 = tpu.memref_slice %arg2[%dma_start3A_85, %dma_start3A_86] : memref<1048576x32xi32, #tpu.memory_space<hbm>> -> memref<1048576x32xi32, #tpu.memory_space<hbm>>
    tpu.enqueue_indirect_dma source(%dma_start3A_87 : memref<1048576x32xi32, #tpu.memory_space<hbm>>) target(%dma_start3A_81 : memref<128x32xi32, #tpu.memory_space<vmem>>) offsets(%dma_start3A_84 : memref<128xi32, #tpu.memory_space<vmem>>) semaphore(%arg8 : memref<!tpu.dma_semaphore, #tpu.memory_space<semaphore_mem>>)
    %dma_start3A_88 = arith.constant 0 : i32
    %dma_start3A_89 = arith.constant 0 : i32
    %dma_start3A_90 = arith.constant 896 : i32
    %dma_start3A_91 = arith.constant 0 : i32
    %dma_start3A_92 = tpu.memref_slice %arg6[%dma_start3A_89, %dma_start3A_90, %dma_start3A_91] : memref<2x1024x32xi32, #tpu.memory_space<vmem>> -> memref<1x128x32xi32, #tpu.memory_space<vmem>>
    %dma_start3A_93 = tpu.memref_squeeze %dma_start3A_92 : memref<1x128x32xi32, #tpu.memory_space<vmem>> -> memref<128x32xi32, #tpu.memory_space<vmem>>
    %dma_start3A_94 = arith.constant 896 : i32
    %dma_start3A_95 = tpu.memref_slice %arg5[%dma_start3A_88, %dma_start3A_94] : memref<2x1024xi32, #tpu.memory_space<vmem>> -> memref<1x128xi32, #tpu.memory_space<vmem>>
    %dma_start3A_96 = tpu.memref_squeeze %dma_start3A_95 : memref<1x128xi32, #tpu.memory_space<vmem>> -> memref<128xi32, #tpu.memory_space<vmem>>
    %dma_start3A_97 = arith.constant 0 : i32
    %dma_start3A_98 = arith.constant 0 : i32
    %dma_start3A_99 = tpu.memref_slice %arg2[%dma_start3A_97, %dma_start3A_98] : memref<1048576x32xi32, #tpu.memory_space<hbm>> -> memref<1048576x32xi32, #tpu.memory_space<hbm>>
    tpu.enqueue_indirect_dma source(%dma_start3A_99 : memref<1048576x32xi32, #tpu.memory_space<hbm>>) target(%dma_start3A_93 : memref<128x32xi32, #tpu.memory_space<vmem>>) offsets(%dma_start3A_96 : memref<128xi32, #tpu.memory_space<vmem>>) semaphore(%arg8 : memref<!tpu.dma_semaphore, #tpu.memory_space<semaphore_mem>>)
    %scan3A = arith.constant 0 : i32
    %scan3A_100 = arith.constant 0 : i32
    %scan3A_101 = arith.constant 16 : i32
    %scan3A_102 = arith.addi %scan3A_100, %scan3A_101 : i32
    %scan3A_103 = arith.constant 1 : i32
    scf.for %scan3A_105 = %scan3A_100 to %scan3A_102 step %scan3A_103  : i32 {
      %mul3A_106 = arith.constant 2 : i32
      %mul3A_107 = arith.muli %scan3A_105, %mul3A_106 : i32
      %mul3A_108 = arith.constant 64 : i32
      %mul3A_109 = arith.muli %mul3A_107, %mul3A_108 : i32
      %add3A_110 = arith.addi %mul3A_2, %mul3A_109 : i32
      %add3A_111 = arith.constant 64 : i32
      %add3A_112 = arith.addi %add3A_110, %add3A_111 : i32
      %mul3A_113 = arith.constant 16 : i32
      %mul3A_114 = arith.muli %add3A_112, %mul3A_113 : i32
      %run_scoped3A_115 = arith.constant 1 : i32
      "tpu.region"() ({
        %run_scoped3A_256 = tpu.sem_alloc : memref<!tpu.dma_semaphore, #tpu.memory_space<semaphore_mem>>
        %dma_start3A_257 = arith.constant 0 : i32
        %dma_start3A_258 = tpu.memref_slice %arg5[%run_scoped3A_115, %dma_start3A_257] : memref<2x1024xi32, #tpu.memory_space<vmem>> -> memref<1x1024xi32, #tpu.memory_space<vmem>>
        %dma_start3A_259 = tpu.memref_squeeze %dma_start3A_258 : memref<1x1024xi32, #tpu.memory_space<vmem>> -> memref<1024xi32, #tpu.memory_space<vmem>>
        %dma_start3A_260 = tpu.memref_slice %arg3[%mul3A_114] : memref<1048576xi32, #tpu.memory_space<hbm>> -> memref<1024xi32, #tpu.memory_space<hbm>>
        %dma_start3A_261 = arith.constant 0 : i32
        %dma_start3A_262 = tpu.memref_slice %arg5[%run_scoped3A_115, %dma_start3A_261] : memref<2x1024xi32, #tpu.memory_space<vmem>> -> memref<1x1024xi32, #tpu.memory_space<vmem>>
        %dma_start3A_263 = tpu.memref_squeeze %dma_start3A_262 : memref<1x1024xi32, #tpu.memory_space<vmem>> -> memref<1024xi32, #tpu.memory_space<vmem>>
        %dma_start3A_264 = tpu.memref_slice %arg3[%mul3A_114] : memref<1048576xi32, #tpu.memory_space<hbm>> -> memref<1024xi32, #tpu.memory_space<hbm>>
        tpu.enqueue_dma source(%dma_start3A_264 : memref<1024xi32, #tpu.memory_space<hbm>>) target(%dma_start3A_263 : memref<1024xi32, #tpu.memory_space<vmem>>) target_semaphore(%run_scoped3A_256 : memref<!tpu.dma_semaphore, #tpu.memory_space<semaphore_mem>>)
        %dma_wait3A_265 = arith.constant 0 : i32
        %dma_wait3A_266 = tpu.memref_slice %arg5[%run_scoped3A_115, %dma_wait3A_265] : memref<2x1024xi32, #tpu.memory_space<vmem>> -> memref<1x1024xi32, #tpu.memory_space<vmem>>
        %dma_wait3A_267 = tpu.memref_squeeze %dma_wait3A_266 : memref<1x1024xi32, #tpu.memory_space<vmem>> -> memref<1024xi32, #tpu.memory_space<vmem>>
        %dma_wait3A_268 = tpu.memref_slice %arg3[%mul3A_114] : memref<1048576xi32, #tpu.memory_space<hbm>> -> memref<1024xi32, #tpu.memory_space<hbm>>
        %dma_wait3A_269 = arith.constant 0 : i32
        %dma_wait3A_270 = tpu.memref_slice %arg5[%run_scoped3A_115, %dma_wait3A_269] : memref<2x1024xi32, #tpu.memory_space<vmem>> -> memref<1x1024xi32, #tpu.memory_space<vmem>>
        %dma_wait3A_271 = tpu.memref_squeeze %dma_wait3A_270 : memref<1x1024xi32, #tpu.memory_space<vmem>> -> memref<1024xi32, #tpu.memory_space<vmem>>
        %dma_wait3A_272 = tpu.memref_slice %arg3[%mul3A_114] : memref<1048576xi32, #tpu.memory_space<hbm>> -> memref<1024xi32, #tpu.memory_space<hbm>>
        tpu.wait_dma2 semaphore(%run_scoped3A_256 : memref<!tpu.dma_semaphore, #tpu.memory_space<semaphore_mem>>) src(%dma_wait3A_272 : memref<1024xi32, #tpu.memory_space<hbm>>) dst(%dma_wait3A_271 : memref<1024xi32, #tpu.memory_space<vmem>>)
        tpu.yield
      }) : () -> ()
      %dma_start3A_116 = arith.constant 1 : i32
      %dma_start3A_117 = arith.constant 1 : i32
      %dma_start3A_118 = arith.constant 0 : i32
      %dma_start3A_119 = arith.constant 0 : i32
      %dma_start3A_120 = tpu.memref_slice %arg6[%dma_start3A_117, %dma_start3A_118, %dma_start3A_119] : memref<2x1024x32xi32, #tpu.memory_space<vmem>> -> memref<1x128x32xi32, #tpu.memory_space<vmem>>
      %dma_start3A_121 = tpu.memref_squeeze %dma_start3A_120 : memref<1x128x32xi32, #tpu.memory_space<vmem>> -> memref<128x32xi32, #tpu.memory_space<vmem>>
      %dma_start3A_122 = arith.constant 0 : i32
      %dma_start3A_123 = tpu.memref_slice %arg5[%dma_start3A_116, %dma_start3A_122] : memref<2x1024xi32, #tpu.memory_space<vmem>> -> memref<1x128xi32, #tpu.memory_space<vmem>>
      %dma_start3A_124 = tpu.memref_squeeze %dma_start3A_123 : memref<1x128xi32, #tpu.memory_space<vmem>> -> memref<128xi32, #tpu.memory_space<vmem>>
      %dma_start3A_125 = arith.constant 0 : i32
      %dma_start3A_126 = arith.constant 0 : i32
      %dma_start3A_127 = tpu.memref_slice %arg2[%dma_start3A_125, %dma_start3A_126] : memref<1048576x32xi32, #tpu.memory_space<hbm>> -> memref<1048576x32xi32, #tpu.memory_space<hbm>>
      tpu.enqueue_indirect_dma source(%dma_start3A_127 : memref<1048576x32xi32, #tpu.memory_space<hbm>>) target(%dma_start3A_121 : memref<128x32xi32, #tpu.memory_space<vmem>>) offsets(%dma_start3A_124 : memref<128xi32, #tpu.memory_space<vmem>>) semaphore(%arg9 : memref<!tpu.dma_semaphore, #tpu.memory_space<semaphore_mem>>)
      %dma_start3A_128 = arith.constant 1 : i32
      %dma_start3A_129 = arith.constant 1 : i32
      %dma_start3A_130 = arith.constant 128 : i32
      %dma_start3A_131 = arith.constant 0 : i32
      %dma_start3A_132 = tpu.memref_slice %arg6[%dma_start3A_129, %dma_start3A_130, %dma_start3A_131] : memref<2x1024x32xi32, #tpu.memory_space<vmem>> -> memref<1x128x32xi32, #tpu.memory_space<vmem>>
      %dma_start3A_133 = tpu.memref_squeeze %dma_start3A_132 : memref<1x128x32xi32, #tpu.memory_space<vmem>> -> memref<128x32xi32, #tpu.memory_space<vmem>>
      %dma_start3A_134 = arith.constant 128 : i32
      %dma_start3A_135 = tpu.memref_slice %arg5[%dma_start3A_128, %dma_start3A_134] : memref<2x1024xi32, #tpu.memory_space<vmem>> -> memref<1x128xi32, #tpu.memory_space<vmem>>
      %dma_start3A_136 = tpu.memref_squeeze %dma_start3A_135 : memref<1x128xi32, #tpu.memory_space<vmem>> -> memref<128xi32, #tpu.memory_space<vmem>>
      %dma_start3A_137 = arith.constant 0 : i32
      %dma_start3A_138 = arith.constant 0 : i32
      %dma_start3A_139 = tpu.memref_slice %arg2[%dma_start3A_137, %dma_start3A_138] : memref<1048576x32xi32, #tpu.memory_space<hbm>> -> memref<1048576x32xi32, #tpu.memory_space<hbm>>
      tpu.enqueue_indirect_dma source(%dma_start3A_139 : memref<1048576x32xi32, #tpu.memory_space<hbm>>) target(%dma_start3A_133 : memref<128x32xi32, #tpu.memory_space<vmem>>) offsets(%dma_start3A_136 : memref<128xi32, #tpu.memory_space<vmem>>) semaphore(%arg9 : memref<!tpu.dma_semaphore, #tpu.memory_space<semaphore_mem>>)
      %dma_start3A_140 = arith.constant 1 : i32
      %dma_start3A_141 = arith.constant 1 : i32
      %dma_start3A_142 = arith.constant 256 : i32
      %dma_start3A_143 = arith.constant 0 : i32
      %dma_start3A_144 = tpu.memref_slice %arg6[%dma_start3A_141, %dma_start3A_142, %dma_start3A_143] : memref<2x1024x32xi32, #tpu.memory_space<vmem>> -> memref<1x128x32xi32, #tpu.memory_space<vmem>>
      %dma_start3A_145 = tpu.memref_squeeze %dma_start3A_144 : memref<1x128x32xi32, #tpu.memory_space<vmem>> -> memref<128x32xi32, #tpu.memory_space<vmem>>
      %dma_start3A_146 = arith.constant 256 : i32
      %dma_start3A_147 = tpu.memref_slice %arg5[%dma_start3A_140, %dma_start3A_146] : memref<2x1024xi32, #tpu.memory_space<vmem>> -> memref<1x128xi32, #tpu.memory_space<vmem>>
      %dma_start3A_148 = tpu.memref_squeeze %dma_start3A_147 : memref<1x128xi32, #tpu.memory_space<vmem>> -> memref<128xi32, #tpu.memory_space<vmem>>
      %dma_start3A_149 = arith.constant 0 : i32
      %dma_start3A_150 = arith.constant 0 : i32
      %dma_start3A_151 = tpu.memref_slice %arg2[%dma_start3A_149, %dma_start3A_150] : memref<1048576x32xi32, #tpu.memory_space<hbm>> -> memref<1048576x32xi32, #tpu.memory_space<hbm>>
      tpu.enqueue_indirect_dma source(%dma_start3A_151 : memref<1048576x32xi32, #tpu.memory_space<hbm>>) target(%dma_start3A_145 : memref<128x32xi32, #tpu.memory_space<vmem>>) offsets(%dma_start3A_148 : memref<128xi32, #tpu.memory_space<vmem>>) semaphore(%arg9 : memref<!tpu.dma_semaphore, #tpu.memory_space<semaphore_mem>>)
      %dma_start3A_152 = arith.constant 1 : i32
      %dma_start3A_153 = arith.constant 1 : i32
      %dma_start3A_154 = arith.constant 384 : i32
      %dma_start3A_155 = arith.constant 0 : i32
      %dma_start3A_156 = tpu.memref_slice %arg6[%dma_start3A_153, %dma_start3A_154, %dma_start3A_155] : memref<2x1024x32xi32, #tpu.memory_space<vmem>> -> memref<1x128x32xi32, #tpu.memory_space<vmem>>
      %dma_start3A_157 = tpu.memref_squeeze %dma_start3A_156 : memref<1x128x32xi32, #tpu.memory_space<vmem>> -> memref<128x32xi32, #tpu.memory_space<vmem>>
      %dma_start3A_158 = arith.constant 384 : i32
      %dma_start3A_159 = tpu.memref_slice %arg5[%dma_start3A_152, %dma_start3A_158] : memref<2x1024xi32, #tpu.memory_space<vmem>> -> memref<1x128xi32, #tpu.memory_space<vmem>>
      %dma_start3A_160 = tpu.memref_squeeze %dma_start3A_159 : memref<1x128xi32, #tpu.memory_space<vmem>> -> memref<128xi32, #tpu.memory_space<vmem>>
      %dma_start3A_161 = arith.constant 0 : i32
      %dma_start3A_162 = arith.constant 0 : i32
      %dma_start3A_163 = tpu.memref_slice %arg2[%dma_start3A_161, %dma_start3A_162] : memref<1048576x32xi32, #tpu.memory_space<hbm>> -> memref<1048576x32xi32, #tpu.memory_space<hbm>>
      tpu.enqueue_indirect_dma source(%dma_start3A_163 : memref<1048576x32xi32, #tpu.memory_space<hbm>>) target(%dma_start3A_157 : memref<128x32xi32, #tpu.memory_space<vmem>>) offsets(%dma_start3A_160 : memref<128xi32, #tpu.memory_space<vmem>>) semaphore(%arg9 : memref<!tpu.dma_semaphore, #tpu.memory_space<semaphore_mem>>)
      %dma_start3A_164 = arith.constant 1 : i32
      %dma_start3A_165 = arith.constant 1 : i32
      %dma_start3A_166 = arith.constant 512 : i32
      %dma_start3A_167 = arith.constant 0 : i32
      %dma_start3A_168 = tpu.memref_slice %arg6[%dma_start3A_165, %dma_start3A_166, %dma_start3A_167] : memref<2x1024x32xi32, #tpu.memory_space<vmem>> -> memref<1x128x32xi32, #tpu.memory_space<vmem>>
      %dma_start3A_169 = tpu.memref_squeeze %dma_start3A_168 : memref<1x128x32xi32, #tpu.memory_space<vmem>> -> memref<128x32xi32, #tpu.memory_space<vmem>>
      %dma_start3A_170 = arith.constant 512 : i32
      %dma_start3A_171 = tpu.memref_slice %arg5[%dma_start3A_164, %dma_start3A_170] : memref<2x1024xi32, #tpu.memory_space<vmem>> -> memref<1x128xi32, #tpu.memory_space<vmem>>
      %dma_start3A_172 = tpu.memref_squeeze %dma_start3A_171 : memref<1x128xi32, #tpu.memory_space<vmem>> -> memref<128xi32, #tpu.memory_space<vmem>>
      %dma_start3A_173 = arith.constant 0 : i32
      %dma_start3A_174 = arith.constant 0 : i32
      %dma_start3A_175 = tpu.memref_slice %arg2[%dma_start3A_173, %dma_start3A_174] : memref<1048576x32xi32, #tpu.memory_space<hbm>> -> memref<1048576x32xi32, #tpu.memory_space<hbm>>
      tpu.enqueue_indirect_dma source(%dma_start3A_175 : memref<1048576x32xi32, #tpu.memory_space<hbm>>) target(%dma_start3A_169 : memref<128x32xi32, #tpu.memory_space<vmem>>) offsets(%dma_start3A_172 : memref<128xi32, #tpu.memory_space<vmem>>) semaphore(%arg9 : memref<!tpu.dma_semaphore, #tpu.memory_space<semaphore_mem>>)
      %dma_start3A_176 = arith.constant 1 : i32
      %dma_start3A_177 = arith.constant 1 : i32
      %dma_start3A_178 = arith.constant 640 : i32
      %dma_start3A_179 = arith.constant 0 : i32
      %dma_start3A_180 = tpu.memref_slice %arg6[%dma_start3A_177, %dma_start3A_178, %dma_start3A_179] : memref<2x1024x32xi32, #tpu.memory_space<vmem>> -> memref<1x128x32xi32, #tpu.memory_space<vmem>>
      %dma_start3A_181 = tpu.memref_squeeze %dma_start3A_180 : memref<1x128x32xi32, #tpu.memory_space<vmem>> -> memref<128x32xi32, #tpu.memory_space<vmem>>
      %dma_start3A_182 = arith.constant 640 : i32
      %dma_start3A_183 = tpu.memref_slice %arg5[%dma_start3A_176, %dma_start3A_182] : memref<2x1024xi32, #tpu.memory_space<vmem>> -> memref<1x128xi32, #tpu.memory_space<vmem>>
      %dma_start3A_184 = tpu.memref_squeeze %dma_start3A_183 : memref<1x128xi32, #tpu.memory_space<vmem>> -> memref<128xi32, #tpu.memory_space<vmem>>
      %dma_start3A_185 = arith.constant 0 : i32
      %dma_start3A_186 = arith.constant 0 : i32
      %dma_start3A_187 = tpu.memref_slice %arg2[%dma_start3A_185, %dma_start3A_186] : memref<1048576x32xi32, #tpu.memory_space<hbm>> -> memref<1048576x32xi32, #tpu.memory_space<hbm>>
      tpu.enqueue_indirect_dma source(%dma_start3A_187 : memref<1048576x32xi32, #tpu.memory_space<hbm>>) target(%dma_start3A_181 : memref<128x32xi32, #tpu.memory_space<vmem>>) offsets(%dma_start3A_184 : memref<128xi32, #tpu.memory_space<vmem>>) semaphore(%arg9 : memref<!tpu.dma_semaphore, #tpu.memory_space<semaphore_mem>>)
      %dma_start3A_188 = arith.constant 1 : i32
      %dma_start3A_189 = arith.constant 1 : i32
      %dma_start3A_190 = arith.constant 768 : i32
      %dma_start3A_191 = arith.constant 0 : i32
      %dma_start3A_192 = tpu.memref_slice %arg6[%dma_start3A_189, %dma_start3A_190, %dma_start3A_191] : memref<2x1024x32xi32, #tpu.memory_space<vmem>> -> memref<1x128x32xi32, #tpu.memory_space<vmem>>
      %dma_start3A_193 = tpu.memref_squeeze %dma_start3A_192 : memref<1x128x32xi32, #tpu.memory_space<vmem>> -> memref<128x32xi32, #tpu.memory_space<vmem>>
      %dma_start3A_194 = arith.constant 768 : i32
      %dma_start3A_195 = tpu.memref_slice %arg5[%dma_start3A_188, %dma_start3A_194] : memref<2x1024xi32, #tpu.memory_space<vmem>> -> memref<1x128xi32, #tpu.memory_space<vmem>>
      %dma_start3A_196 = tpu.memref_squeeze %dma_start3A_195 : memref<1x128xi32, #tpu.memory_space<vmem>> -> memref<128xi32, #tpu.memory_space<vmem>>
      %dma_start3A_197 = arith.constant 0 : i32
      %dma_start3A_198 = arith.constant 0 : i32
      %dma_start3A_199 = tpu.memref_slice %arg2[%dma_start3A_197, %dma_start3A_198] : memref<1048576x32xi32, #tpu.memory_space<hbm>> -> memref<1048576x32xi32, #tpu.memory_space<hbm>>
      tpu.enqueue_indirect_dma source(%dma_start3A_199 : memref<1048576x32xi32, #tpu.memory_space<hbm>>) target(%dma_start3A_193 : memref<128x32xi32, #tpu.memory_space<vmem>>) offsets(%dma_start3A_196 : memref<128xi32, #tpu.memory_space<vmem>>) semaphore(%arg9 : memref<!tpu.dma_semaphore, #tpu.memory_space<semaphore_mem>>)
      %dma_start3A_200 = arith.constant 1 : i32
      %dma_start3A_201 = arith.constant 1 : i32
      %dma_start3A_202 = arith.constant 896 : i32
      %dma_start3A_203 = arith.constant 0 : i32
      %dma_start3A_204 = tpu.memref_slice %arg6[%dma_start3A_201, %dma_start3A_202, %dma_start3A_203] : memref<2x1024x32xi32, #tpu.memory_space<vmem>> -> memref<1x128x32xi32, #tpu.memory_space<vmem>>
      %dma_start3A_205 = tpu.memref_squeeze %dma_start3A_204 : memref<1x128x32xi32, #tpu.memory_space<vmem>> -> memref<128x32xi32, #tpu.memory_space<vmem>>
      %dma_start3A_206 = arith.constant 896 : i32
      %dma_start3A_207 = tpu.memref_slice %arg5[%dma_start3A_200, %dma_start3A_206] : memref<2x1024xi32, #tpu.memory_space<vmem>> -> memref<1x128xi32, #tpu.memory_space<vmem>>
      %dma_start3A_208 = tpu.memref_squeeze %dma_start3A_207 : memref<1x128xi32, #tpu.memory_space<vmem>> -> memref<128xi32, #tpu.memory_space<vmem>>
      %dma_start3A_209 = arith.constant 0 : i32
      %dma_start3A_210 = arith.constant 0 : i32
      %dma_start3A_211 = tpu.memref_slice %arg2[%dma_start3A_209, %dma_start3A_210] : memref<1048576x32xi32, #tpu.memory_space<hbm>> -> memref<1048576x32xi32, #tpu.memory_space<hbm>>
      tpu.enqueue_indirect_dma source(%dma_start3A_211 : memref<1048576x32xi32, #tpu.memory_space<hbm>>) target(%dma_start3A_205 : memref<128x32xi32, #tpu.memory_space<vmem>>) offsets(%dma_start3A_208 : memref<128xi32, #tpu.memory_space<vmem>>) semaphore(%arg9 : memref<!tpu.dma_semaphore, #tpu.memory_space<semaphore_mem>>)
      %dma_wait3A = arith.constant 0 : i32
      %dma_wait3A_212 = arith.constant 0 : i32
      %dma_wait3A_213 = arith.constant 0 : i32
      %dma_wait3A_214 = arith.constant 0 : i32
      %dma_wait3A_215 = tpu.memref_slice %arg6[%dma_wait3A_212, %dma_wait3A_213, %dma_wait3A_214] : memref<2x1024x32xi32, #tpu.memory_space<vmem>> -> memref<1x1024x32xi32, #tpu.memory_space<vmem>>
      %dma_wait3A_216 = tpu.memref_squeeze %dma_wait3A_215 : memref<1x1024x32xi32, #tpu.memory_space<vmem>> -> memref<1024x32xi32, #tpu.memory_space<vmem>>
      %dma_wait3A_217 = arith.constant 0 : i32
      %dma_wait3A_218 = tpu.memref_slice %arg5[%dma_wait3A, %dma_wait3A_217] : memref<2x1024xi32, #tpu.memory_space<vmem>> -> memref<1x1024xi32, #tpu.memory_space<vmem>>
      %dma_wait3A_219 = tpu.memref_squeeze %dma_wait3A_218 : memref<1x1024xi32, #tpu.memory_space<vmem>> -> memref<1024xi32, #tpu.memory_space<vmem>>
      %dma_wait3A_220 = arith.constant 0 : i32
      %dma_wait3A_221 = arith.constant 0 : i32
      %dma_wait3A_222 = tpu.memref_slice %arg2[%dma_wait3A_220, %dma_wait3A_221] : memref<1048576x32xi32, #tpu.memory_space<hbm>> -> memref<1048576x32xi32, #tpu.memory_space<hbm>>
      tpu.wait_indirect_dma semaphore(%arg8 : memref<!tpu.dma_semaphore, #tpu.memory_space<semaphore_mem>>) src(%dma_wait3A_222 : memref<1048576x32xi32, #tpu.memory_space<hbm>>) dst(%dma_wait3A_216 : memref<1024x32xi32, #tpu.memory_space<vmem>>)
      %broadcast_in_dim3A = arith.constant 0.000000e+00 : bf16
      %broadcast_in_dim3A_223 = vector.broadcast %broadcast_in_dim3A : bf16 to vector<32xbf16>
      %scan3A_224 = arith.constant 0 : i32
      %scan3A_225 = arith.constant 0 : i32
      %scan3A_226 = arith.constant 64 : i32
      %scan3A_227 = arith.addi %scan3A_225, %scan3A_226 : i32
      %scan3A_228 = arith.constant 1 : i32
      scf.for %scan3A_256 = %scan3A_225 to %scan3A_227 step %scan3A_228  : i32 {
        %mul3A_257 = arith.constant 16 : i32
        %mul3A_258 = arith.muli %scan3A_256, %mul3A_257 : i32
        %add3A_259 = arith.constant 0 : i32
        %add3A_260 = arith.addi %mul3A_258, %add3A_259 : i32
        %get3A = arith.constant 0 : i32
        %get3A_261 = arith.index_cast %get3A : i32 to index
        %get3A_262 = arith.index_cast %add3A_260 : i32 to index
        %get3A_263 = arith.constant 0 : index
        %get3A_264 = tpu.vector_load %arg6[%get3A_261, %get3A_262, %get3A_263] {strides = array<i32>} : memref<2x1024x32xi32, #tpu.memory_space<vmem>>, vector<16xi32>,
        %bitcast3A = vector.bitcast %get3A_264 : vector<16xi32> to vector<32xbf16>
        %add3A_265 = arith.constant 1 : i32
        %add3A_266 = arith.addi %mul3A_258, %add3A_265 : i32
        %get3A_267 = arith.constant 0 : i32
        %get3A_268 = arith.index_cast %get3A_267 : i32 to index
        %get3A_269 = arith.index_cast %add3A_266 : i32 to index
        %get3A_270 = arith.constant 0 : index
        %get3A_271 = tpu.vector_load %arg6[%get3A_268, %get3A_269, %get3A_270] {strides = array<i32>} : memref<2x1024x32xi32, #tpu.memory_space<vmem>>, vector<16xi32>,
        %bitcast3A_272 = vector.bitcast %get3A_271 : vector<16xi32> to vector<32xbf16>
        %add3A_273 = arith.constant 2 : i32
        %add3A_274 = arith.addi %mul3A_258, %add3A_273 : i32
        %get3A_275 = arith.constant 0 : i32
        %get3A_276 = arith.index_cast %get3A_275 : i32 to index
        %get3A_277 = arith.index_cast %add3A_274 : i32 to index
        %get3A_278 = arith.constant 0 : index
        %get3A_279 = tpu.vector_load %arg6[%get3A_276, %get3A_277, %get3A_278] {strides = array<i32>} : memref<2x1024x32xi32, #tpu.memory_space<vmem>>, vector<16xi32>,
        %bitcast3A_280 = vector.bitcast %get3A_279 : vector<16xi32> to vector<32xbf16>
        %add3A_281 = arith.constant 3 : i32
        %add3A_282 = arith.addi %mul3A_258, %add3A_281 : i32
        %get3A_283 = arith.constant 0 : i32
        %get3A_284 = arith.index_cast %get3A_283 : i32 to index
        %get3A_285 = arith.index_cast %add3A_282 : i32 to index
        %get3A_286 = arith.constant 0 : index
        %get3A_287 = tpu.vector_load %arg6[%get3A_284, %get3A_285, %get3A_286] {strides = array<i32>} : memref<2x1024x32xi32, #tpu.memory_space<vmem>>, vector<16xi32>,
        %bitcast3A_288 = vector.bitcast %get3A_287 : vector<16xi32> to vector<32xbf16>
        %add3A_289 = arith.constant 4 : i32
        %add3A_290 = arith.addi %mul3A_258, %add3A_289 : i32
        %get3A_291 = arith.constant 0 : i32
        %get3A_292 = arith.index_cast %get3A_291 : i32 to index
        %get3A_293 = arith.index_cast %add3A_290 : i32 to index
        %get3A_294 = arith.constant 0 : index
        %get3A_295 = tpu.vector_load %arg6[%get3A_292, %get3A_293, %get3A_294] {strides = array<i32>} : memref<2x1024x32xi32, #tpu.memory_space<vmem>>, vector<16xi32>,
        %bitcast3A_296 = vector.bitcast %get3A_295 : vector<16xi32> to vector<32xbf16>
        %add3A_297 = arith.constant 5 : i32
        %add3A_298 = arith.addi %mul3A_258, %add3A_297 : i32
        %get3A_299 = arith.constant 0 : i32
        %get3A_300 = arith.index_cast %get3A_299 : i32 to index
        %get3A_301 = arith.index_cast %add3A_298 : i32 to index
        %get3A_302 = arith.constant 0 : index
        %get3A_303 = tpu.vector_load %arg6[%get3A_300, %get3A_301, %get3A_302] {strides = array<i32>} : memref<2x1024x32xi32, #tpu.memory_space<vmem>>, vector<16xi32>,
        %bitcast3A_304 = vector.bitcast %get3A_303 : vector<16xi32> to vector<32xbf16>
        %add3A_305 = arith.constant 6 : i32
        %add3A_306 = arith.addi %mul3A_258, %add3A_305 : i32
        %get3A_307 = arith.constant 0 : i32
        %get3A_308 = arith.index_cast %get3A_307 : i32 to index
        %get3A_309 = arith.index_cast %add3A_306 : i32 to index
        %get3A_310 = arith.constant 0 : index
        %get3A_311 = tpu.vector_load %arg6[%get3A_308, %get3A_309, %get3A_310] {strides = array<i32>} : memref<2x1024x32xi32, #tpu.memory_space<vmem>>, vector<16xi32>,
        %bitcast3A_312 = vector.bitcast %get3A_311 : vector<16xi32> to vector<32xbf16>
        %add3A_313 = arith.constant 7 : i32
        %add3A_314 = arith.addi %mul3A_258, %add3A_313 : i32
        %get3A_315 = arith.constant 0 : i32
        %get3A_316 = arith.index_cast %get3A_315 : i32 to index
        %get3A_317 = arith.index_cast %add3A_314 : i32 to index
        %get3A_318 = arith.constant 0 : index
        %get3A_319 = tpu.vector_load %arg6[%get3A_316, %get3A_317, %get3A_318] {strides = array<i32>} : memref<2x1024x32xi32, #tpu.memory_space<vmem>>, vector<16xi32>,
        %bitcast3A_320 = vector.bitcast %get3A_319 : vector<16xi32> to vector<32xbf16>
        %add3A_321 = arith.constant 8 : i32
        %add3A_322 = arith.addi %mul3A_258, %add3A_321 : i32
        %get3A_323 = arith.constant 0 : i32
        %get3A_324 = arith.index_cast %get3A_323 : i32 to index
        %get3A_325 = arith.index_cast %add3A_322 : i32 to index
        %get3A_326 = arith.constant 0 : index
        %get3A_327 = tpu.vector_load %arg6[%get3A_324, %get3A_325, %get3A_326] {strides = array<i32>} : memref<2x1024x32xi32, #tpu.memory_space<vmem>>, vector<16xi32>,
        %bitcast3A_328 = vector.bitcast %get3A_327 : vector<16xi32> to vector<32xbf16>
        %add3A_329 = arith.constant 9 : i32
        %add3A_330 = arith.addi %mul3A_258, %add3A_329 : i32
        %get3A_331 = arith.constant 0 : i32
        %get3A_332 = arith.index_cast %get3A_331 : i32 to index
        %get3A_333 = arith.index_cast %add3A_330 : i32 to index
        %get3A_334 = arith.constant 0 : index
        %get3A_335 = tpu.vector_load %arg6[%get3A_332, %get3A_333, %get3A_334] {strides = array<i32>} : memref<2x1024x32xi32, #tpu.memory_space<vmem>>, vector<16xi32>,
        %bitcast3A_336 = vector.bitcast %get3A_335 : vector<16xi32> to vector<32xbf16>
        %add3A_337 = arith.constant 10 : i32
        %add3A_338 = arith.addi %mul3A_258, %add3A_337 : i32
        %get3A_339 = arith.constant 0 : i32
        %get3A_340 = arith.index_cast %get3A_339 : i32 to index
        %get3A_341 = arith.index_cast %add3A_338 : i32 to index
        %get3A_342 = arith.constant 0 : index
        %get3A_343 = tpu.vector_load %arg6[%get3A_340, %get3A_341, %get3A_342] {strides = array<i32>} : memref<2x1024x32xi32, #tpu.memory_space<vmem>>, vector<16xi32>,
        %bitcast3A_344 = vector.bitcast %get3A_343 : vector<16xi32> to vector<32xbf16>
        %add3A_345 = arith.constant 11 : i32
        %add3A_346 = arith.addi %mul3A_258, %add3A_345 : i32
        %get3A_347 = arith.constant 0 : i32
        %get3A_348 = arith.index_cast %get3A_347 : i32 to index
        %get3A_349 = arith.index_cast %add3A_346 : i32 to index
        %get3A_350 = arith.constant 0 : index
        %get3A_351 = tpu.vector_load %arg6[%get3A_348, %get3A_349, %get3A_350] {strides = array<i32>} : memref<2x1024x32xi32, #tpu.memory_space<vmem>>, vector<16xi32>,
        %bitcast3A_352 = vector.bitcast %get3A_351 : vector<16xi32> to vector<32xbf16>
        %add3A_353 = arith.constant 12 : i32
        %add3A_354 = arith.addi %mul3A_258, %add3A_353 : i32
        %get3A_355 = arith.constant 0 : i32
        %get3A_356 = arith.index_cast %get3A_355 : i32 to index
        %get3A_357 = arith.index_cast %add3A_354 : i32 to index
        %get3A_358 = arith.constant 0 : index
        %get3A_359 = tpu.vector_load %arg6[%get3A_356, %get3A_357, %get3A_358] {strides = array<i32>} : memref<2x1024x32xi32, #tpu.memory_space<vmem>>, vector<16xi32>,
        %bitcast3A_360 = vector.bitcast %get3A_359 : vector<16xi32> to vector<32xbf16>
        %add3A_361 = arith.constant 13 : i32
        %add3A_362 = arith.addi %mul3A_258, %add3A_361 : i32
        %get3A_363 = arith.constant 0 : i32
        %get3A_364 = arith.index_cast %get3A_363 : i32 to index
        %get3A_365 = arith.index_cast %add3A_362 : i32 to index
        %get3A_366 = arith.constant 0 : index
        %get3A_367 = tpu.vector_load %arg6[%get3A_364, %get3A_365, %get3A_366] {strides = array<i32>} : memref<2x1024x32xi32, #tpu.memory_space<vmem>>, vector<16xi32>,
        %bitcast3A_368 = vector.bitcast %get3A_367 : vector<16xi32> to vector<32xbf16>
        %add3A_369 = arith.constant 14 : i32
        %add3A_370 = arith.addi %mul3A_258, %add3A_369 : i32
        %get3A_371 = arith.constant 0 : i32
        %get3A_372 = arith.index_cast %get3A_371 : i32 to index
        %get3A_373 = arith.index_cast %add3A_370 : i32 to index
        %get3A_374 = arith.constant 0 : index
        %get3A_375 = tpu.vector_load %arg6[%get3A_372, %get3A_373, %get3A_374] {strides = array<i32>} : memref<2x1024x32xi32, #tpu.memory_space<vmem>>, vector<16xi32>,
        %bitcast3A_376 = vector.bitcast %get3A_375 : vector<16xi32> to vector<32xbf16>
        %add3A_377 = arith.constant 15 : i32
        %add3A_378 = arith.addi %mul3A_258, %add3A_377 : i32
        %get3A_379 = arith.constant 0 : i32
        %get3A_380 = arith.index_cast %get3A_379 : i32 to index
        %get3A_381 = arith.index_cast %add3A_378 : i32 to index
        %get3A_382 = arith.constant 0 : index
        %get3A_383 = tpu.vector_load %arg6[%get3A_380, %get3A_381, %get3A_382] {strides = array<i32>} : memref<2x1024x32xi32, #tpu.memory_space<vmem>>, vector<16xi32>,
        %bitcast3A_384 = vector.bitcast %get3A_383 : vector<16xi32> to vector<32xbf16>
        %add3A_385 = arith.addf %bitcast3A, %bitcast3A_272 : vector<32xbf16>
        %add3A_386 = arith.addf %bitcast3A_280, %bitcast3A_288 : vector<32xbf16>
        %add3A_387 = arith.addf %bitcast3A_296, %bitcast3A_304 : vector<32xbf16>
        %add3A_388 = arith.addf %bitcast3A_312, %bitcast3A_320 : vector<32xbf16>
        %add3A_389 = arith.addf %bitcast3A_328, %bitcast3A_336 : vector<32xbf16>
        %add3A_390 = arith.addf %bitcast3A_344, %bitcast3A_352 : vector<32xbf16>
        %add3A_391 = arith.addf %bitcast3A_360, %bitcast3A_368 : vector<32xbf16>
        %add3A_392 = arith.addf %bitcast3A_376, %bitcast3A_384 : vector<32xbf16>
        %add3A_393 = arith.addf %add3A_385, %add3A_386 : vector<32xbf16>
        %add3A_394 = arith.addf %add3A_387, %add3A_388 : vector<32xbf16>
        %add3A_395 = arith.addf %add3A_389, %add3A_390 : vector<32xbf16>
        %add3A_396 = arith.addf %add3A_391, %add3A_392 : vector<32xbf16>
        %add3A_397 = arith.addf %add3A_393, %add3A_394 : vector<32xbf16>
        %add3A_398 = arith.addf %add3A_395, %add3A_396 : vector<32xbf16>
        %add3A_399 = arith.addf %add3A_397, %add3A_398 : vector<32xbf16>
        %max3A = arith.maximumf %add3A_399, %broadcast_in_dim3A_223 : vector<32xbf16>
        %bitcast3A_400 = vector.bitcast %max3A : vector<32xbf16> to vector<16xi32>
        %swap3A = arith.index_cast %scan3A_256 : i32 to index
        %swap3A_401 = arith.constant 0 : index
        %swap3A_402 = tpu.vector_load %arg7[%swap3A, %swap3A_401] {strides = array<i32>} : memref<64x32xi32, #tpu.memory_space<vmem>>, vector<16xi32>,
        tpu.vector_store %arg7[%swap3A, %swap3A_401], %bitcast3A_400 {strides = array<i32>} : memref<64x32xi32, #tpu.memory_space<vmem>>, vector<16xi32>,
        %add3A_403 = arith.constant 0 : i32
        %add3A_404 = arith.addi %mul3A_258, %add3A_403 : i32
        %get3A_405 = arith.constant 0 : i32
        %get3A_406 = arith.index_cast %get3A_405 : i32 to index
        %get3A_407 = arith.index_cast %add3A_404 : i32 to index
        %get3A_408 = arith.constant 16 : index
        %get3A_409 = tpu.vector_load %arg6[%get3A_406, %get3A_407, %get3A_408] {strides = array<i32>} : memref<2x1024x32xi32, #tpu.memory_space<vmem>>, vector<16xi32>,
        %bitcast3A_410 = vector.bitcast %get3A_409 : vector<16xi32> to vector<32xbf16>
        %add3A_411 = arith.constant 1 : i32
        %add3A_412 = arith.addi %mul3A_258, %add3A_411 : i32
        %get3A_413 = arith.constant 0 : i32
        %get3A_414 = arith.index_cast %get3A_413 : i32 to index
        %get3A_415 = arith.index_cast %add3A_412 : i32 to index
        %get3A_416 = arith.constant 16 : index
        %get3A_417 = tpu.vector_load %arg6[%get3A_414, %get3A_415, %get3A_416] {strides = array<i32>} : memref<2x1024x32xi32, #tpu.memory_space<vmem>>, vector<16xi32>,
        %bitcast3A_418 = vector.bitcast %get3A_417 : vector<16xi32> to vector<32xbf16>
        %add3A_419 = arith.constant 2 : i32
        %add3A_420 = arith.addi %mul3A_258, %add3A_419 : i32
        %get3A_421 = arith.constant 0 : i32
        %get3A_422 = arith.index_cast %get3A_421 : i32 to index
        %get3A_423 = arith.index_cast %add3A_420 : i32 to index
        %get3A_424 = arith.constant 16 : index
        %get3A_425 = tpu.vector_load %arg6[%get3A_422, %get3A_423, %get3A_424] {strides = array<i32>} : memref<2x1024x32xi32, #tpu.memory_space<vmem>>, vector<16xi32>,
        %bitcast3A_426 = vector.bitcast %get3A_425 : vector<16xi32> to vector<32xbf16>
        %add3A_427 = arith.constant 3 : i32
        %add3A_428 = arith.addi %mul3A_258, %add3A_427 : i32
        %get3A_429 = arith.constant 0 : i32
        %get3A_430 = arith.index_cast %get3A_429 : i32 to index
        %get3A_431 = arith.index_cast %add3A_428 : i32 to index
        %get3A_432 = arith.constant 16 : index
        %get3A_433 = tpu.vector_load %arg6[%get3A_430, %get3A_431, %get3A_432] {strides = array<i32>} : memref<2x1024x32xi32, #tpu.memory_space<vmem>>, vector<16xi32>,
        %bitcast3A_434 = vector.bitcast %get3A_433 : vector<16xi32> to vector<32xbf16>
        %add3A_435 = arith.constant 4 : i32
        %add3A_436 = arith.addi %mul3A_258, %add3A_435 : i32
        %get3A_437 = arith.constant 0 : i32
        %get3A_438 = arith.index_cast %get3A_437 : i32 to index
        %get3A_439 = arith.index_cast %add3A_436 : i32 to index
        %get3A_440 = arith.constant 16 : index
        %get3A_441 = tpu.vector_load %arg6[%get3A_438, %get3A_439, %get3A_440] {strides = array<i32>} : memref<2x1024x32xi32, #tpu.memory_space<vmem>>, vector<16xi32>,
        %bitcast3A_442 = vector.bitcast %get3A_441 : vector<16xi32> to vector<32xbf16>
        %add3A_443 = arith.constant 5 : i32
        %add3A_444 = arith.addi %mul3A_258, %add3A_443 : i32
        %get3A_445 = arith.constant 0 : i32
        %get3A_446 = arith.index_cast %get3A_445 : i32 to index
        %get3A_447 = arith.index_cast %add3A_444 : i32 to index
        %get3A_448 = arith.constant 16 : index
        %get3A_449 = tpu.vector_load %arg6[%get3A_446, %get3A_447, %get3A_448] {strides = array<i32>} : memref<2x1024x32xi32, #tpu.memory_space<vmem>>, vector<16xi32>,
        %bitcast3A_450 = vector.bitcast %get3A_449 : vector<16xi32> to vector<32xbf16>
        %add3A_451 = arith.constant 6 : i32
        %add3A_452 = arith.addi %mul3A_258, %add3A_451 : i32
        %get3A_453 = arith.constant 0 : i32
        %get3A_454 = arith.index_cast %get3A_453 : i32 to index
        %get3A_455 = arith.index_cast %add3A_452 : i32 to index
        %get3A_456 = arith.constant 16 : index
        %get3A_457 = tpu.vector_load %arg6[%get3A_454, %get3A_455, %get3A_456] {strides = array<i32>} : memref<2x1024x32xi32, #tpu.memory_space<vmem>>, vector<16xi32>,
        %bitcast3A_458 = vector.bitcast %get3A_457 : vector<16xi32> to vector<32xbf16>
        %add3A_459 = arith.constant 7 : i32
        %add3A_460 = arith.addi %mul3A_258, %add3A_459 : i32
        %get3A_461 = arith.constant 0 : i32
        %get3A_462 = arith.index_cast %get3A_461 : i32 to index
        %get3A_463 = arith.index_cast %add3A_460 : i32 to index
        %get3A_464 = arith.constant 16 : index
        %get3A_465 = tpu.vector_load %arg6[%get3A_462, %get3A_463, %get3A_464] {strides = array<i32>} : memref<2x1024x32xi32, #tpu.memory_space<vmem>>, vector<16xi32>,
        %bitcast3A_466 = vector.bitcast %get3A_465 : vector<16xi32> to vector<32xbf16>
        %add3A_467 = arith.constant 8 : i32
        %add3A_468 = arith.addi %mul3A_258, %add3A_467 : i32
        %get3A_469 = arith.constant 0 : i32
        %get3A_470 = arith.index_cast %get3A_469 : i32 to index
        %get3A_471 = arith.index_cast %add3A_468 : i32 to index
        %get3A_472 = arith.constant 16 : index
        %get3A_473 = tpu.vector_load %arg6[%get3A_470, %get3A_471, %get3A_472] {strides = array<i32>} : memref<2x1024x32xi32, #tpu.memory_space<vmem>>, vector<16xi32>,
        %bitcast3A_474 = vector.bitcast %get3A_473 : vector<16xi32> to vector<32xbf16>
        %add3A_475 = arith.constant 9 : i32
        %add3A_476 = arith.addi %mul3A_258, %add3A_475 : i32
        %get3A_477 = arith.constant 0 : i32
        %get3A_478 = arith.index_cast %get3A_477 : i32 to index
        %get3A_479 = arith.index_cast %add3A_476 : i32 to index
        %get3A_480 = arith.constant 16 : index
        %get3A_481 = tpu.vector_load %arg6[%get3A_478, %get3A_479, %get3A_480] {strides = array<i32>} : memref<2x1024x32xi32, #tpu.memory_space<vmem>>, vector<16xi32>,
        %bitcast3A_482 = vector.bitcast %get3A_481 : vector<16xi32> to vector<32xbf16>
        %add3A_483 = arith.constant 10 : i32
        %add3A_484 = arith.addi %mul3A_258, %add3A_483 : i32
        %get3A_485 = arith.constant 0 : i32
        %get3A_486 = arith.index_cast %get3A_485 : i32 to index
        %get3A_487 = arith.index_cast %add3A_484 : i32 to index
        %get3A_488 = arith.constant 16 : index
        %get3A_489 = tpu.vector_load %arg6[%get3A_486, %get3A_487, %get3A_488] {strides = array<i32>} : memref<2x1024x32xi32, #tpu.memory_space<vmem>>, vector<16xi32>,
        %bitcast3A_490 = vector.bitcast %get3A_489 : vector<16xi32> to vector<32xbf16>
        %add3A_491 = arith.constant 11 : i32
        %add3A_492 = arith.addi %mul3A_258, %add3A_491 : i32
        %get3A_493 = arith.constant 0 : i32
        %get3A_494 = arith.index_cast %get3A_493 : i32 to index
        %get3A_495 = arith.index_cast %add3A_492 : i32 to index
        %get3A_496 = arith.constant 16 : index
        %get3A_497 = tpu.vector_load %arg6[%get3A_494, %get3A_495, %get3A_496] {strides = array<i32>} : memref<2x1024x32xi32, #tpu.memory_space<vmem>>, vector<16xi32>,
        %bitcast3A_498 = vector.bitcast %get3A_497 : vector<16xi32> to vector<32xbf16>
        %add3A_499 = arith.constant 12 : i32
        %add3A_500 = arith.addi %mul3A_258, %add3A_499 : i32
        %get3A_501 = arith.constant 0 : i32
        %get3A_502 = arith.index_cast %get3A_501 : i32 to index
        %get3A_503 = arith.index_cast %add3A_500 : i32 to index
        %get3A_504 = arith.constant 16 : index
        %get3A_505 = tpu.vector_load %arg6[%get3A_502, %get3A_503, %get3A_504] {strides = array<i32>} : memref<2x1024x32xi32, #tpu.memory_space<vmem>>, vector<16xi32>,
        %bitcast3A_506 = vector.bitcast %get3A_505 : vector<16xi32> to vector<32xbf16>
        %add3A_507 = arith.constant 13 : i32
        %add3A_508 = arith.addi %mul3A_258, %add3A_507 : i32
        %get3A_509 = arith.constant 0 : i32
        %get3A_510 = arith.index_cast %get3A_509 : i32 to index
        %get3A_511 = arith.index_cast %add3A_508 : i32 to index
        %get3A_512 = arith.constant 16 : index
        %get3A_513 = tpu.vector_load %arg6[%get3A_510, %get3A_511, %get3A_512] {strides = array<i32>} : memref<2x1024x32xi32, #tpu.memory_space<vmem>>, vector<16xi32>,
        %bitcast3A_514 = vector.bitcast %get3A_513 : vector<16xi32> to vector<32xbf16>
        %add3A_515 = arith.constant 14 : i32
        %add3A_516 = arith.addi %mul3A_258, %add3A_515 : i32
        %get3A_517 = arith.constant 0 : i32
        %get3A_518 = arith.index_cast %get3A_517 : i32 to index
        %get3A_519 = arith.index_cast %add3A_516 : i32 to index
        %get3A_520 = arith.constant 16 : index
        %get3A_521 = tpu.vector_load %arg6[%get3A_518, %get3A_519, %get3A_520] {strides = array<i32>} : memref<2x1024x32xi32, #tpu.memory_space<vmem>>, vector<16xi32>,
        %bitcast3A_522 = vector.bitcast %get3A_521 : vector<16xi32> to vector<32xbf16>
        %add3A_523 = arith.constant 15 : i32
        %add3A_524 = arith.addi %mul3A_258, %add3A_523 : i32
        %get3A_525 = arith.constant 0 : i32
        %get3A_526 = arith.index_cast %get3A_525 : i32 to index
        %get3A_527 = arith.index_cast %add3A_524 : i32 to index
        %get3A_528 = arith.constant 16 : index
        %get3A_529 = tpu.vector_load %arg6[%get3A_526, %get3A_527, %get3A_528] {strides = array<i32>} : memref<2x1024x32xi32, #tpu.memory_space<vmem>>, vector<16xi32>,
        %bitcast3A_530 = vector.bitcast %get3A_529 : vector<16xi32> to vector<32xbf16>
        %add3A_531 = arith.addf %bitcast3A_410, %bitcast3A_418 : vector<32xbf16>
        %add3A_532 = arith.addf %bitcast3A_426, %bitcast3A_434 : vector<32xbf16>
        %add3A_533 = arith.addf %bitcast3A_442, %bitcast3A_450 : vector<32xbf16>
        %add3A_534 = arith.addf %bitcast3A_458, %bitcast3A_466 : vector<32xbf16>
        %add3A_535 = arith.addf %bitcast3A_474, %bitcast3A_482 : vector<32xbf16>
        %add3A_536 = arith.addf %bitcast3A_490, %bitcast3A_498 : vector<32xbf16>
        %add3A_537 = arith.addf %bitcast3A_506, %bitcast3A_514 : vector<32xbf16>
        %add3A_538 = arith.addf %bitcast3A_522, %bitcast3A_530 : vector<32xbf16>
        %add3A_539 = arith.addf %add3A_531, %add3A_532 : vector<32xbf16>
        %add3A_540 = arith.addf %add3A_533, %add3A_534 : vector<32xbf16>
        %add3A_541 = arith.addf %add3A_535, %add3A_536 : vector<32xbf16>
        %add3A_542 = arith.addf %add3A_537, %add3A_538 : vector<32xbf16>
        %add3A_543 = arith.addf %add3A_539, %add3A_540 : vector<32xbf16>
        %add3A_544 = arith.addf %add3A_541, %add3A_542 : vector<32xbf16>
        %add3A_545 = arith.addf %add3A_543, %add3A_544 : vector<32xbf16>
        %max3A_546 = arith.maximumf %add3A_545, %broadcast_in_dim3A_223 : vector<32xbf16>
        %bitcast3A_547 = vector.bitcast %max3A_546 : vector<32xbf16> to vector<16xi32>
        %swap3A_548 = arith.index_cast %scan3A_256 : i32 to index
        %swap3A_549 = arith.constant 16 : index
        %swap3A_550 = tpu.vector_load %arg7[%swap3A_548, %swap3A_549] {strides = array<i32>} : memref<64x32xi32, #tpu.memory_space<vmem>>, vector<16xi32>,
        tpu.vector_store %arg7[%swap3A_548, %swap3A_549], %bitcast3A_547 {strides = array<i32>} : memref<64x32xi32, #tpu.memory_space<vmem>>, vector<16xi32>,
      }
      %scan3A_229 = arith.constant 64 : i32
      "tpu.region"() ({
        %run_scoped3A_256 = tpu.sem_alloc : memref<!tpu.dma_semaphore, #tpu.memory_space<semaphore_mem>>
        %dma_start3A_257 = arith.constant 0 : i32
        %dma_start3A_258 = tpu.memref_slice %arg4[%add3A_110, %dma_start3A_257] : memref<65536x32xi32, #tpu.memory_space<hbm>> -> memref<64x32xi32, #tpu.memory_space<hbm>>
        %dma_start3A_259 = arith.constant 0 : i32
        %dma_start3A_260 = tpu.memref_slice %arg4[%add3A_110, %dma_start3A_259] : memref<65536x32xi32, #tpu.memory_space<hbm>> -> memref<64x32xi32, #tpu.memory_space<hbm>>
        tpu.enqueue_dma source(%arg7 : memref<64x32xi32, #tpu.memory_space<vmem>>) target(%dma_start3A_260 : memref<64x32xi32, #tpu.memory_space<hbm>>) target_semaphore(%run_scoped3A_256 : memref<!tpu.dma_semaphore, #tpu.memory_space<semaphore_mem>>)
        %dma_wait3A_261 = arith.constant 0 : i32
        %dma_wait3A_262 = tpu.memref_slice %arg4[%add3A_110, %dma_wait3A_261] : memref<65536x32xi32, #tpu.memory_space<hbm>> -> memref<64x32xi32, #tpu.memory_space<hbm>>
        %dma_wait3A_263 = arith.constant 0 : i32
        %dma_wait3A_264 = tpu.memref_slice %arg4[%add3A_110, %dma_wait3A_263] : memref<65536x32xi32, #tpu.memory_space<hbm>> -> memref<64x32xi32, #tpu.memory_space<hbm>>
        tpu.wait_dma2 semaphore(%run_scoped3A_256 : memref<!tpu.dma_semaphore, #tpu.memory_space<semaphore_mem>>) src(%arg7 : memref<64x32xi32, #tpu.memory_space<vmem>>) dst(%dma_wait3A_264 : memref<64x32xi32, #tpu.memory_space<hbm>>)
        tpu.yield
      }) : () -> ()
      %add3A_230 = arith.constant 1 : i32
      %add3A_231 = arith.addi %scan3A_105, %add3A_230 : i32
      %lt3A = arith.constant 16 : i32
      %lt3A_232 = arith.cmpi slt, %add3A_231, %lt3A : i32
      %convert_element_type3A = arith.extui %lt3A_232 : i1 to i32
      %cond3A = arith.constant 0 : i32
      %cond3A_233 = arith.cmpi ne, %convert_element_type3A, %cond3A : i32
      scf.if %cond3A_233 {
        %add3A_256 = arith.constant 128 : i32
        %add3A_257 = arith.addi %add3A_110, %add3A_256 : i32
        %mul3A_258 = arith.constant 16 : i32
        %mul3A_259 = arith.muli %add3A_257, %mul3A_258 : i32
        %run_scoped3A_260 = arith.constant 0 : i32
        "tpu.region"() ({
          %run_scoped3A_357 = tpu.sem_alloc : memref<!tpu.dma_semaphore, #tpu.memory_space<semaphore_mem>>
          %dma_start3A_358 = arith.constant 0 : i32
          %dma_start3A_359 = tpu.memref_slice %arg5[%run_scoped3A_260, %dma_start3A_358] : memref<2x1024xi32, #tpu.memory_space<vmem>> -> memref<1x1024xi32, #tpu.memory_space<vmem>>
          %dma_start3A_360 = tpu.memref_squeeze %dma_start3A_359 : memref<1x1024xi32, #tpu.memory_space<vmem>> -> memref<1024xi32, #tpu.memory_space<vmem>>
          %dma_start3A_361 = tpu.memref_slice %arg3[%mul3A_259] : memref<1048576xi32, #tpu.memory_space<hbm>> -> memref<1024xi32, #tpu.memory_space<hbm>>
          %dma_start3A_362 = arith.constant 0 : i32
          %dma_start3A_363 = tpu.memref_slice %arg5[%run_scoped3A_260, %dma_start3A_362] : memref<2x1024xi32, #tpu.memory_space<vmem>> -> memref<1x1024xi32, #tpu.memory_space<vmem>>
          %dma_start3A_364 = tpu.memref_squeeze %dma_start3A_363 : memref<1x1024xi32, #tpu.memory_space<vmem>> -> memref<1024xi32, #tpu.memory_space<vmem>>
          %dma_start3A_365 = tpu.memref_slice %arg3[%mul3A_259] : memref<1048576xi32, #tpu.memory_space<hbm>> -> memref<1024xi32, #tpu.memory_space<hbm>>
          tpu.enqueue_dma source(%dma_start3A_365 : memref<1024xi32, #tpu.memory_space<hbm>>) target(%dma_start3A_364 : memref<1024xi32, #tpu.memory_space<vmem>>) target_semaphore(%run_scoped3A_357 : memref<!tpu.dma_semaphore, #tpu.memory_space<semaphore_mem>>)
          %dma_wait3A_366 = arith.constant 0 : i32
          %dma_wait3A_367 = tpu.memref_slice %arg5[%run_scoped3A_260, %dma_wait3A_366] : memref<2x1024xi32, #tpu.memory_space<vmem>> -> memref<1x1024xi32, #tpu.memory_space<vmem>>
          %dma_wait3A_368 = tpu.memref_squeeze %dma_wait3A_367 : memref<1x1024xi32, #tpu.memory_space<vmem>> -> memref<1024xi32, #tpu.memory_space<vmem>>
          %dma_wait3A_369 = tpu.memref_slice %arg3[%mul3A_259] : memref<1048576xi32, #tpu.memory_space<hbm>> -> memref<1024xi32, #tpu.memory_space<hbm>>
          %dma_wait3A_370 = arith.constant 0 : i32
          %dma_wait3A_371 = tpu.memref_slice %arg5[%run_scoped3A_260, %dma_wait3A_370] : memref<2x1024xi32, #tpu.memory_space<vmem>> -> memref<1x1024xi32, #tpu.memory_space<vmem>>
          %dma_wait3A_372 = tpu.memref_squeeze %dma_wait3A_371 : memref<1x1024xi32, #tpu.memory_space<vmem>> -> memref<1024xi32, #tpu.memory_space<vmem>>
          %dma_wait3A_373 = tpu.memref_slice %arg3[%mul3A_259] : memref<1048576xi32, #tpu.memory_space<hbm>> -> memref<1024xi32, #tpu.memory_space<hbm>>
          tpu.wait_dma2 semaphore(%run_scoped3A_357 : memref<!tpu.dma_semaphore, #tpu.memory_space<semaphore_mem>>) src(%dma_wait3A_373 : memref<1024xi32, #tpu.memory_space<hbm>>) dst(%dma_wait3A_372 : memref<1024xi32, #tpu.memory_space<vmem>>)
          tpu.yield
        }) : () -> ()
        %dma_start3A_261 = arith.constant 0 : i32
        %dma_start3A_262 = arith.constant 0 : i32
        %dma_start3A_263 = arith.constant 0 : i32
        %dma_start3A_264 = arith.constant 0 : i32
        %dma_start3A_265 = tpu.memref_slice %arg6[%dma_start3A_262, %dma_start3A_263, %dma_start3A_264] : memref<2x1024x32xi32, #tpu.memory_space<vmem>> -> memref<1x128x32xi32, #tpu.memory_space<vmem>>
        %dma_start3A_266 = tpu.memref_squeeze %dma_start3A_265 : memref<1x128x32xi32, #tpu.memory_space<vmem>> -> memref<128x32xi32, #tpu.memory_space<vmem>>
        %dma_start3A_267 = arith.constant 0 : i32
        %dma_start3A_268 = tpu.memref_slice %arg5[%dma_start3A_261, %dma_start3A_267] : memref<2x1024xi32, #tpu.memory_space<vmem>> -> memref<1x128xi32, #tpu.memory_space<vmem>>
        %dma_start3A_269 = tpu.memref_squeeze %dma_start3A_268 : memref<1x128xi32, #tpu.memory_space<vmem>> -> memref<128xi32, #tpu.memory_space<vmem>>
        %dma_start3A_270 = arith.constant 0 : i32
        %dma_start3A_271 = arith.constant 0 : i32
        %dma_start3A_272 = tpu.memref_slice %arg2[%dma_start3A_270, %dma_start3A_271] : memref<1048576x32xi32, #tpu.memory_space<hbm>> -> memref<1048576x32xi32, #tpu.memory_space<hbm>>
        tpu.enqueue_indirect_dma source(%dma_start3A_272 : memref<1048576x32xi32, #tpu.memory_space<hbm>>) target(%dma_start3A_266 : memref<128x32xi32, #tpu.memory_space<vmem>>) offsets(%dma_start3A_269 : memref<128xi32, #tpu.memory_space<vmem>>) semaphore(%arg8 : memref<!tpu.dma_semaphore, #tpu.memory_space<semaphore_mem>>)
        %dma_start3A_273 = arith.constant 0 : i32
        %dma_start3A_274 = arith.constant 0 : i32
        %dma_start3A_275 = arith.constant 128 : i32
        %dma_start3A_276 = arith.constant 0 : i32
        %dma_start3A_277 = tpu.memref_slice %arg6[%dma_start3A_274, %dma_start3A_275, %dma_start3A_276] : memref<2x1024x32xi32, #tpu.memory_space<vmem>> -> memref<1x128x32xi32, #tpu.memory_space<vmem>>
        %dma_start3A_278 = tpu.memref_squeeze %dma_start3A_277 : memref<1x128x32xi32, #tpu.memory_space<vmem>> -> memref<128x32xi32, #tpu.memory_space<vmem>>
        %dma_start3A_279 = arith.constant 128 : i32
        %dma_start3A_280 = tpu.memref_slice %arg5[%dma_start3A_273, %dma_start3A_279] : memref<2x1024xi32, #tpu.memory_space<vmem>> -> memref<1x128xi32, #tpu.memory_space<vmem>>
        %dma_start3A_281 = tpu.memref_squeeze %dma_start3A_280 : memref<1x128xi32, #tpu.memory_space<vmem>> -> memref<128xi32, #tpu.memory_space<vmem>>
        %dma_start3A_282 = arith.constant 0 : i32
        %dma_start3A_283 = arith.constant 0 : i32
        %dma_start3A_284 = tpu.memref_slice %arg2[%dma_start3A_282, %dma_start3A_283] : memref<1048576x32xi32, #tpu.memory_space<hbm>> -> memref<1048576x32xi32, #tpu.memory_space<hbm>>
        tpu.enqueue_indirect_dma source(%dma_start3A_284 : memref<1048576x32xi32, #tpu.memory_space<hbm>>) target(%dma_start3A_278 : memref<128x32xi32, #tpu.memory_space<vmem>>) offsets(%dma_start3A_281 : memref<128xi32, #tpu.memory_space<vmem>>) semaphore(%arg8 : memref<!tpu.dma_semaphore, #tpu.memory_space<semaphore_mem>>)
        %dma_start3A_285 = arith.constant 0 : i32
        %dma_start3A_286 = arith.constant 0 : i32
        %dma_start3A_287 = arith.constant 256 : i32
        %dma_start3A_288 = arith.constant 0 : i32
        %dma_start3A_289 = tpu.memref_slice %arg6[%dma_start3A_286, %dma_start3A_287, %dma_start3A_288] : memref<2x1024x32xi32, #tpu.memory_space<vmem>> -> memref<1x128x32xi32, #tpu.memory_space<vmem>>
        %dma_start3A_290 = tpu.memref_squeeze %dma_start3A_289 : memref<1x128x32xi32, #tpu.memory_space<vmem>> -> memref<128x32xi32, #tpu.memory_space<vmem>>
        %dma_start3A_291 = arith.constant 256 : i32
        %dma_start3A_292 = tpu.memref_slice %arg5[%dma_start3A_285, %dma_start3A_291] : memref<2x1024xi32, #tpu.memory_space<vmem>> -> memref<1x128xi32, #tpu.memory_space<vmem>>
        %dma_start3A_293 = tpu.memref_squeeze %dma_start3A_292 : memref<1x128xi32, #tpu.memory_space<vmem>> -> memref<128xi32, #tpu.memory_space<vmem>>
        %dma_start3A_294 = arith.constant 0 : i32
        %dma_start3A_295 = arith.constant 0 : i32
        %dma_start3A_296 = tpu.memref_slice %arg2[%dma_start3A_294, %dma_start3A_295] : memref<1048576x32xi32, #tpu.memory_space<hbm>> -> memref<1048576x32xi32, #tpu.memory_space<hbm>>
        tpu.enqueue_indirect_dma source(%dma_start3A_296 : memref<1048576x32xi32, #tpu.memory_space<hbm>>) target(%dma_start3A_290 : memref<128x32xi32, #tpu.memory_space<vmem>>) offsets(%dma_start3A_293 : memref<128xi32, #tpu.memory_space<vmem>>) semaphore(%arg8 : memref<!tpu.dma_semaphore, #tpu.memory_space<semaphore_mem>>)
        %dma_start3A_297 = arith.constant 0 : i32
        %dma_start3A_298 = arith.constant 0 : i32
        %dma_start3A_299 = arith.constant 384 : i32
        %dma_start3A_300 = arith.constant 0 : i32
        %dma_start3A_301 = tpu.memref_slice %arg6[%dma_start3A_298, %dma_start3A_299, %dma_start3A_300] : memref<2x1024x32xi32, #tpu.memory_space<vmem>> -> memref<1x128x32xi32, #tpu.memory_space<vmem>>
        %dma_start3A_302 = tpu.memref_squeeze %dma_start3A_301 : memref<1x128x32xi32, #tpu.memory_space<vmem>> -> memref<128x32xi32, #tpu.memory_space<vmem>>
        %dma_start3A_303 = arith.constant 384 : i32
        %dma_start3A_304 = tpu.memref_slice %arg5[%dma_start3A_297, %dma_start3A_303] : memref<2x1024xi32, #tpu.memory_space<vmem>> -> memref<1x128xi32, #tpu.memory_space<vmem>>
        %dma_start3A_305 = tpu.memref_squeeze %dma_start3A_304 : memref<1x128xi32, #tpu.memory_space<vmem>> -> memref<128xi32, #tpu.memory_space<vmem>>
        %dma_start3A_306 = arith.constant 0 : i32
        %dma_start3A_307 = arith.constant 0 : i32
        %dma_start3A_308 = tpu.memref_slice %arg2[%dma_start3A_306, %dma_start3A_307] : memref<1048576x32xi32, #tpu.memory_space<hbm>> -> memref<1048576x32xi32, #tpu.memory_space<hbm>>
        tpu.enqueue_indirect_dma source(%dma_start3A_308 : memref<1048576x32xi32, #tpu.memory_space<hbm>>) target(%dma_start3A_302 : memref<128x32xi32, #tpu.memory_space<vmem>>) offsets(%dma_start3A_305 : memref<128xi32, #tpu.memory_space<vmem>>) semaphore(%arg8 : memref<!tpu.dma_semaphore, #tpu.memory_space<semaphore_mem>>)
        %dma_start3A_309 = arith.constant 0 : i32
        %dma_start3A_310 = arith.constant 0 : i32
        %dma_start3A_311 = arith.constant 512 : i32
        %dma_start3A_312 = arith.constant 0 : i32
        %dma_start3A_313 = tpu.memref_slice %arg6[%dma_start3A_310, %dma_start3A_311, %dma_start3A_312] : memref<2x1024x32xi32, #tpu.memory_space<vmem>> -> memref<1x128x32xi32, #tpu.memory_space<vmem>>
        %dma_start3A_314 = tpu.memref_squeeze %dma_start3A_313 : memref<1x128x32xi32, #tpu.memory_space<vmem>> -> memref<128x32xi32, #tpu.memory_space<vmem>>
        %dma_start3A_315 = arith.constant 512 : i32
        %dma_start3A_316 = tpu.memref_slice %arg5[%dma_start3A_309, %dma_start3A_315] : memref<2x1024xi32, #tpu.memory_space<vmem>> -> memref<1x128xi32, #tpu.memory_space<vmem>>
        %dma_start3A_317 = tpu.memref_squeeze %dma_start3A_316 : memref<1x128xi32, #tpu.memory_space<vmem>> -> memref<128xi32, #tpu.memory_space<vmem>>
        %dma_start3A_318 = arith.constant 0 : i32
        %dma_start3A_319 = arith.constant 0 : i32
        %dma_start3A_320 = tpu.memref_slice %arg2[%dma_start3A_318, %dma_start3A_319] : memref<1048576x32xi32, #tpu.memory_space<hbm>> -> memref<1048576x32xi32, #tpu.memory_space<hbm>>
        tpu.enqueue_indirect_dma source(%dma_start3A_320 : memref<1048576x32xi32, #tpu.memory_space<hbm>>) target(%dma_start3A_314 : memref<128x32xi32, #tpu.memory_space<vmem>>) offsets(%dma_start3A_317 : memref<128xi32, #tpu.memory_space<vmem>>) semaphore(%arg8 : memref<!tpu.dma_semaphore, #tpu.memory_space<semaphore_mem>>)
        %dma_start3A_321 = arith.constant 0 : i32
        %dma_start3A_322 = arith.constant 0 : i32
        %dma_start3A_323 = arith.constant 640 : i32
        %dma_start3A_324 = arith.constant 0 : i32
        %dma_start3A_325 = tpu.memref_slice %arg6[%dma_start3A_322, %dma_start3A_323, %dma_start3A_324] : memref<2x1024x32xi32, #tpu.memory_space<vmem>> -> memref<1x128x32xi32, #tpu.memory_space<vmem>>
        %dma_start3A_326 = tpu.memref_squeeze %dma_start3A_325 : memref<1x128x32xi32, #tpu.memory_space<vmem>> -> memref<128x32xi32, #tpu.memory_space<vmem>>
        %dma_start3A_327 = arith.constant 640 : i32
        %dma_start3A_328 = tpu.memref_slice %arg5[%dma_start3A_321, %dma_start3A_327] : memref<2x1024xi32, #tpu.memory_space<vmem>> -> memref<1x128xi32, #tpu.memory_space<vmem>>
        %dma_start3A_329 = tpu.memref_squeeze %dma_start3A_328 : memref<1x128xi32, #tpu.memory_space<vmem>> -> memref<128xi32, #tpu.memory_space<vmem>>
        %dma_start3A_330 = arith.constant 0 : i32
        %dma_start3A_331 = arith.constant 0 : i32
        %dma_start3A_332 = tpu.memref_slice %arg2[%dma_start3A_330, %dma_start3A_331] : memref<1048576x32xi32, #tpu.memory_space<hbm>> -> memref<1048576x32xi32, #tpu.memory_space<hbm>>
        tpu.enqueue_indirect_dma source(%dma_start3A_332 : memref<1048576x32xi32, #tpu.memory_space<hbm>>) target(%dma_start3A_326 : memref<128x32xi32, #tpu.memory_space<vmem>>) offsets(%dma_start3A_329 : memref<128xi32, #tpu.memory_space<vmem>>) semaphore(%arg8 : memref<!tpu.dma_semaphore, #tpu.memory_space<semaphore_mem>>)
        %dma_start3A_333 = arith.constant 0 : i32
        %dma_start3A_334 = arith.constant 0 : i32
        %dma_start3A_335 = arith.constant 768 : i32
        %dma_start3A_336 = arith.constant 0 : i32
        %dma_start3A_337 = tpu.memref_slice %arg6[%dma_start3A_334, %dma_start3A_335, %dma_start3A_336] : memref<2x1024x32xi32, #tpu.memory_space<vmem>> -> memref<1x128x32xi32, #tpu.memory_space<vmem>>
        %dma_start3A_338 = tpu.memref_squeeze %dma_start3A_337 : memref<1x128x32xi32, #tpu.memory_space<vmem>> -> memref<128x32xi32, #tpu.memory_space<vmem>>
        %dma_start3A_339 = arith.constant 768 : i32
        %dma_start3A_340 = tpu.memref_slice %arg5[%dma_start3A_333, %dma_start3A_339] : memref<2x1024xi32, #tpu.memory_space<vmem>> -> memref<1x128xi32, #tpu.memory_space<vmem>>
        %dma_start3A_341 = tpu.memref_squeeze %dma_start3A_340 : memref<1x128xi32, #tpu.memory_space<vmem>> -> memref<128xi32, #tpu.memory_space<vmem>>
        %dma_start3A_342 = arith.constant 0 : i32
        %dma_start3A_343 = arith.constant 0 : i32
        %dma_start3A_344 = tpu.memref_slice %arg2[%dma_start3A_342, %dma_start3A_343] : memref<1048576x32xi32, #tpu.memory_space<hbm>> -> memref<1048576x32xi32, #tpu.memory_space<hbm>>
        tpu.enqueue_indirect_dma source(%dma_start3A_344 : memref<1048576x32xi32, #tpu.memory_space<hbm>>) target(%dma_start3A_338 : memref<128x32xi32, #tpu.memory_space<vmem>>) offsets(%dma_start3A_341 : memref<128xi32, #tpu.memory_space<vmem>>) semaphore(%arg8 : memref<!tpu.dma_semaphore, #tpu.memory_space<semaphore_mem>>)
        %dma_start3A_345 = arith.constant 0 : i32
        %dma_start3A_346 = arith.constant 0 : i32
        %dma_start3A_347 = arith.constant 896 : i32
        %dma_start3A_348 = arith.constant 0 : i32
        %dma_start3A_349 = tpu.memref_slice %arg6[%dma_start3A_346, %dma_start3A_347, %dma_start3A_348] : memref<2x1024x32xi32, #tpu.memory_space<vmem>> -> memref<1x128x32xi32, #tpu.memory_space<vmem>>
        %dma_start3A_350 = tpu.memref_squeeze %dma_start3A_349 : memref<1x128x32xi32, #tpu.memory_space<vmem>> -> memref<128x32xi32, #tpu.memory_space<vmem>>
        %dma_start3A_351 = arith.constant 896 : i32
        %dma_start3A_352 = tpu.memref_slice %arg5[%dma_start3A_345, %dma_start3A_351] : memref<2x1024xi32, #tpu.memory_space<vmem>> -> memref<1x128xi32, #tpu.memory_space<vmem>>
        %dma_start3A_353 = tpu.memref_squeeze %dma_start3A_352 : memref<1x128xi32, #tpu.memory_space<vmem>> -> memref<128xi32, #tpu.memory_space<vmem>>
        %dma_start3A_354 = arith.constant 0 : i32
        %dma_start3A_355 = arith.constant 0 : i32
        %dma_start3A_356 = tpu.memref_slice %arg2[%dma_start3A_354, %dma_start3A_355] : memref<1048576x32xi32, #tpu.memory_space<hbm>> -> memref<1048576x32xi32, #tpu.memory_space<hbm>>
        tpu.enqueue_indirect_dma source(%dma_start3A_356 : memref<1048576x32xi32, #tpu.memory_space<hbm>>) target(%dma_start3A_350 : memref<128x32xi32, #tpu.memory_space<vmem>>) offsets(%dma_start3A_353 : memref<128xi32, #tpu.memory_space<vmem>>) semaphore(%arg8 : memref<!tpu.dma_semaphore, #tpu.memory_space<semaphore_mem>>)
      } else {
      }
      %add3A_234 = arith.constant 64 : i32
      %add3A_235 = arith.addi %add3A_110, %add3A_234 : i32
      %dma_wait3A_236 = arith.constant 1 : i32
      %dma_wait3A_237 = arith.constant 1 : i32
      %dma_wait3A_238 = arith.constant 0 : i32
      %dma_wait3A_239 = arith.constant 0 : i32
      %dma_wait3A_240 = tpu.memref_slice %arg6[%dma_wait3A_237, %dma_wait3A_238, %dma_wait3A_239] : memref<2x1024x32xi32, #tpu.memory_space<vmem>> -> memref<1x1024x32xi32, #tpu.memory_space<vmem>>
      %dma_wait3A_241 = tpu.memref_squeeze %dma_wait3A_240 : memref<1x1024x32xi32, #tpu.memory_space<vmem>> -> memref<1024x32xi32, #tpu.memory_space<vmem>>
      %dma_wait3A_242 = arith.constant 0 : i32
      %dma_wait3A_243 = tpu.memref_slice %arg5[%dma_wait3A_236, %dma_wait3A_242] : memref<2x1024xi32, #tpu.memory_space<vmem>> -> memref<1x1024xi32, #tpu.memory_space<vmem>>
      %dma_wait3A_244 = tpu.memref_squeeze %dma_wait3A_243 : memref<1x1024xi32, #tpu.memory_space<vmem>> -> memref<1024xi32, #tpu.memory_space<vmem>>
      %dma_wait3A_245 = arith.constant 0 : i32
      %dma_wait3A_246 = arith.constant 0 : i32
      %dma_wait3A_247 = tpu.memref_slice %arg2[%dma_wait3A_245, %dma_wait3A_246] : memref<1048576x32xi32, #tpu.memory_space<hbm>> -> memref<1048576x32xi32, #tpu.memory_space<hbm>>
      tpu.wait_indirect_dma semaphore(%arg9 : memref<!tpu.dma_semaphore, #tpu.memory_space<semaphore_mem>>) src(%dma_wait3A_247 : memref<1048576x32xi32, #tpu.memory_space<hbm>>) dst(%dma_wait3A_241 : memref<1024x32xi32, #tpu.memory_space<vmem>>)
      %broadcast_in_dim3A_248 = arith.constant 0.000000e+00 : bf16
      %broadcast_in_dim3A_249 = vector.broadcast %broadcast_in_dim3A_248 : bf16 to vector<32xbf16>
      %scan3A_250 = arith.constant 0 : i32
      %scan3A_251 = arith.constant 0 : i32
      %scan3A_252 = arith.constant 64 : i32
      %scan3A_253 = arith.addi %scan3A_251, %scan3A_252 : i32
      %scan3A_254 = arith.constant 1 : i32
      scf.for %scan3A_256 = %scan3A_251 to %scan3A_253 step %scan3A_254  : i32 {
        %mul3A_257 = arith.constant 16 : i32
        %mul3A_258 = arith.muli %scan3A_256, %mul3A_257 : i32
        %add3A_259 = arith.constant 0 : i32
        %add3A_260 = arith.addi %mul3A_258, %add3A_259 : i32
        %get3A = arith.constant 1 : i32
        %get3A_261 = arith.index_cast %get3A : i32 to index
        %get3A_262 = arith.index_cast %add3A_260 : i32 to index
        %get3A_263 = arith.constant 0 : index
        %get3A_264 = tpu.vector_load %arg6[%get3A_261, %get3A_262, %get3A_263] {strides = array<i32>} : memref<2x1024x32xi32, #tpu.memory_space<vmem>>, vector<16xi32>,
        %bitcast3A = vector.bitcast %get3A_264 : vector<16xi32> to vector<32xbf16>
        %add3A_265 = arith.constant 1 : i32
        %add3A_266 = arith.addi %mul3A_258, %add3A_265 : i32
        %get3A_267 = arith.constant 1 : i32
        %get3A_268 = arith.index_cast %get3A_267 : i32 to index
        %get3A_269 = arith.index_cast %add3A_266 : i32 to index
        %get3A_270 = arith.constant 0 : index
        %get3A_271 = tpu.vector_load %arg6[%get3A_268, %get3A_269, %get3A_270] {strides = array<i32>} : memref<2x1024x32xi32, #tpu.memory_space<vmem>>, vector<16xi32>,
        %bitcast3A_272 = vector.bitcast %get3A_271 : vector<16xi32> to vector<32xbf16>
        %add3A_273 = arith.constant 2 : i32
        %add3A_274 = arith.addi %mul3A_258, %add3A_273 : i32
        %get3A_275 = arith.constant 1 : i32
        %get3A_276 = arith.index_cast %get3A_275 : i32 to index
        %get3A_277 = arith.index_cast %add3A_274 : i32 to index
        %get3A_278 = arith.constant 0 : index
        %get3A_279 = tpu.vector_load %arg6[%get3A_276, %get3A_277, %get3A_278] {strides = array<i32>} : memref<2x1024x32xi32, #tpu.memory_space<vmem>>, vector<16xi32>,
        %bitcast3A_280 = vector.bitcast %get3A_279 : vector<16xi32> to vector<32xbf16>
        %add3A_281 = arith.constant 3 : i32
        %add3A_282 = arith.addi %mul3A_258, %add3A_281 : i32
        %get3A_283 = arith.constant 1 : i32
        %get3A_284 = arith.index_cast %get3A_283 : i32 to index
        %get3A_285 = arith.index_cast %add3A_282 : i32 to index
        %get3A_286 = arith.constant 0 : index
        %get3A_287 = tpu.vector_load %arg6[%get3A_284, %get3A_285, %get3A_286] {strides = array<i32>} : memref<2x1024x32xi32, #tpu.memory_space<vmem>>, vector<16xi32>,
        %bitcast3A_288 = vector.bitcast %get3A_287 : vector<16xi32> to vector<32xbf16>
        %add3A_289 = arith.constant 4 : i32
        %add3A_290 = arith.addi %mul3A_258, %add3A_289 : i32
        %get3A_291 = arith.constant 1 : i32
        %get3A_292 = arith.index_cast %get3A_291 : i32 to index
        %get3A_293 = arith.index_cast %add3A_290 : i32 to index
        %get3A_294 = arith.constant 0 : index
        %get3A_295 = tpu.vector_load %arg6[%get3A_292, %get3A_293, %get3A_294] {strides = array<i32>} : memref<2x1024x32xi32, #tpu.memory_space<vmem>>, vector<16xi32>,
        %bitcast3A_296 = vector.bitcast %get3A_295 : vector<16xi32> to vector<32xbf16>
        %add3A_297 = arith.constant 5 : i32
        %add3A_298 = arith.addi %mul3A_258, %add3A_297 : i32
        %get3A_299 = arith.constant 1 : i32
        %get3A_300 = arith.index_cast %get3A_299 : i32 to index
        %get3A_301 = arith.index_cast %add3A_298 : i32 to index
        %get3A_302 = arith.constant 0 : index
        %get3A_303 = tpu.vector_load %arg6[%get3A_300, %get3A_301, %get3A_302] {strides = array<i32>} : memref<2x1024x32xi32, #tpu.memory_space<vmem>>, vector<16xi32>,
        %bitcast3A_304 = vector.bitcast %get3A_303 : vector<16xi32> to vector<32xbf16>
        %add3A_305 = arith.constant 6 : i32
        %add3A_306 = arith.addi %mul3A_258, %add3A_305 : i32
        %get3A_307 = arith.constant 1 : i32
        %get3A_308 = arith.index_cast %get3A_307 : i32 to index
        %get3A_309 = arith.index_cast %add3A_306 : i32 to index
        %get3A_310 = arith.constant 0 : index
        %get3A_311 = tpu.vector_load %arg6[%get3A_308, %get3A_309, %get3A_310] {strides = array<i32>} : memref<2x1024x32xi32, #tpu.memory_space<vmem>>, vector<16xi32>,
        %bitcast3A_312 = vector.bitcast %get3A_311 : vector<16xi32> to vector<32xbf16>
        %add3A_313 = arith.constant 7 : i32
        %add3A_314 = arith.addi %mul3A_258, %add3A_313 : i32
        %get3A_315 = arith.constant 1 : i32
        %get3A_316 = arith.index_cast %get3A_315 : i32 to index
        %get3A_317 = arith.index_cast %add3A_314 : i32 to index
        %get3A_318 = arith.constant 0 : index
        %get3A_319 = tpu.vector_load %arg6[%get3A_316, %get3A_317, %get3A_318] {strides = array<i32>} : memref<2x1024x32xi32, #tpu.memory_space<vmem>>, vector<16xi32>,
        %bitcast3A_320 = vector.bitcast %get3A_319 : vector<16xi32> to vector<32xbf16>
        %add3A_321 = arith.constant 8 : i32
        %add3A_322 = arith.addi %mul3A_258, %add3A_321 : i32
        %get3A_323 = arith.constant 1 : i32
        %get3A_324 = arith.index_cast %get3A_323 : i32 to index
        %get3A_325 = arith.index_cast %add3A_322 : i32 to index
        %get3A_326 = arith.constant 0 : index
        %get3A_327 = tpu.vector_load %arg6[%get3A_324, %get3A_325, %get3A_326] {strides = array<i32>} : memref<2x1024x32xi32, #tpu.memory_space<vmem>>, vector<16xi32>,
        %bitcast3A_328 = vector.bitcast %get3A_327 : vector<16xi32> to vector<32xbf16>
        %add3A_329 = arith.constant 9 : i32
        %add3A_330 = arith.addi %mul3A_258, %add3A_329 : i32
        %get3A_331 = arith.constant 1 : i32
        %get3A_332 = arith.index_cast %get3A_331 : i32 to index
        %get3A_333 = arith.index_cast %add3A_330 : i32 to index
        %get3A_334 = arith.constant 0 : index
        %get3A_335 = tpu.vector_load %arg6[%get3A_332, %get3A_333, %get3A_334] {strides = array<i32>} : memref<2x1024x32xi32, #tpu.memory_space<vmem>>, vector<16xi32>,
        %bitcast3A_336 = vector.bitcast %get3A_335 : vector<16xi32> to vector<32xbf16>
        %add3A_337 = arith.constant 10 : i32
        %add3A_338 = arith.addi %mul3A_258, %add3A_337 : i32
        %get3A_339 = arith.constant 1 : i32
        %get3A_340 = arith.index_cast %get3A_339 : i32 to index
        %get3A_341 = arith.index_cast %add3A_338 : i32 to index
        %get3A_342 = arith.constant 0 : index
        %get3A_343 = tpu.vector_load %arg6[%get3A_340, %get3A_341, %get3A_342] {strides = array<i32>} : memref<2x1024x32xi32, #tpu.memory_space<vmem>>, vector<16xi32>,
        %bitcast3A_344 = vector.bitcast %get3A_343 : vector<16xi32> to vector<32xbf16>
        %add3A_345 = arith.constant 11 : i32
        %add3A_346 = arith.addi %mul3A_258, %add3A_345 : i32
        %get3A_347 = arith.constant 1 : i32
        %get3A_348 = arith.index_cast %get3A_347 : i32 to index
        %get3A_349 = arith.index_cast %add3A_346 : i32 to index
        %get3A_350 = arith.constant 0 : index
        %get3A_351 = tpu.vector_load %arg6[%get3A_348, %get3A_349, %get3A_350] {strides = array<i32>} : memref<2x1024x32xi32, #tpu.memory_space<vmem>>, vector<16xi32>,
        %bitcast3A_352 = vector.bitcast %get3A_351 : vector<16xi32> to vector<32xbf16>
        %add3A_353 = arith.constant 12 : i32
        %add3A_354 = arith.addi %mul3A_258, %add3A_353 : i32
        %get3A_355 = arith.constant 1 : i32
        %get3A_356 = arith.index_cast %get3A_355 : i32 to index
        %get3A_357 = arith.index_cast %add3A_354 : i32 to index
        %get3A_358 = arith.constant 0 : index
        %get3A_359 = tpu.vector_load %arg6[%get3A_356, %get3A_357, %get3A_358] {strides = array<i32>} : memref<2x1024x32xi32, #tpu.memory_space<vmem>>, vector<16xi32>,
        %bitcast3A_360 = vector.bitcast %get3A_359 : vector<16xi32> to vector<32xbf16>
        %add3A_361 = arith.constant 13 : i32
        %add3A_362 = arith.addi %mul3A_258, %add3A_361 : i32
        %get3A_363 = arith.constant 1 : i32
        %get3A_364 = arith.index_cast %get3A_363 : i32 to index
        %get3A_365 = arith.index_cast %add3A_362 : i32 to index
        %get3A_366 = arith.constant 0 : index
        %get3A_367 = tpu.vector_load %arg6[%get3A_364, %get3A_365, %get3A_366] {strides = array<i32>} : memref<2x1024x32xi32, #tpu.memory_space<vmem>>, vector<16xi32>,
        %bitcast3A_368 = vector.bitcast %get3A_367 : vector<16xi32> to vector<32xbf16>
        %add3A_369 = arith.constant 14 : i32
        %add3A_370 = arith.addi %mul3A_258, %add3A_369 : i32
        %get3A_371 = arith.constant 1 : i32
        %get3A_372 = arith.index_cast %get3A_371 : i32 to index
        %get3A_373 = arith.index_cast %add3A_370 : i32 to index
        %get3A_374 = arith.constant 0 : index
        %get3A_375 = tpu.vector_load %arg6[%get3A_372, %get3A_373, %get3A_374] {strides = array<i32>} : memref<2x1024x32xi32, #tpu.memory_space<vmem>>, vector<16xi32>,
        %bitcast3A_376 = vector.bitcast %get3A_375 : vector<16xi32> to vector<32xbf16>
        %add3A_377 = arith.constant 15 : i32
        %add3A_378 = arith.addi %mul3A_258, %add3A_377 : i32
        %get3A_379 = arith.constant 1 : i32
        %get3A_380 = arith.index_cast %get3A_379 : i32 to index
        %get3A_381 = arith.index_cast %add3A_378 : i32 to index
        %get3A_382 = arith.constant 0 : index
        %get3A_383 = tpu.vector_load %arg6[%get3A_380, %get3A_381, %get3A_382] {strides = array<i32>} : memref<2x1024x32xi32, #tpu.memory_space<vmem>>, vector<16xi32>,
        %bitcast3A_384 = vector.bitcast %get3A_383 : vector<16xi32> to vector<32xbf16>
        %add3A_385 = arith.addf %bitcast3A, %bitcast3A_272 : vector<32xbf16>
        %add3A_386 = arith.addf %bitcast3A_280, %bitcast3A_288 : vector<32xbf16>
        %add3A_387 = arith.addf %bitcast3A_296, %bitcast3A_304 : vector<32xbf16>
        %add3A_388 = arith.addf %bitcast3A_312, %bitcast3A_320 : vector<32xbf16>
        %add3A_389 = arith.addf %bitcast3A_328, %bitcast3A_336 : vector<32xbf16>
        %add3A_390 = arith.addf %bitcast3A_344, %bitcast3A_352 : vector<32xbf16>
        %add3A_391 = arith.addf %bitcast3A_360, %bitcast3A_368 : vector<32xbf16>
        %add3A_392 = arith.addf %bitcast3A_376, %bitcast3A_384 : vector<32xbf16>
        %add3A_393 = arith.addf %add3A_385, %add3A_386 : vector<32xbf16>
        %add3A_394 = arith.addf %add3A_387, %add3A_388 : vector<32xbf16>
        %add3A_395 = arith.addf %add3A_389, %add3A_390 : vector<32xbf16>
        %add3A_396 = arith.addf %add3A_391, %add3A_392 : vector<32xbf16>
        %add3A_397 = arith.addf %add3A_393, %add3A_394 : vector<32xbf16>
        %add3A_398 = arith.addf %add3A_395, %add3A_396 : vector<32xbf16>
        %add3A_399 = arith.addf %add3A_397, %add3A_398 : vector<32xbf16>
        %max3A = arith.maximumf %add3A_399, %broadcast_in_dim3A_249 : vector<32xbf16>
        %bitcast3A_400 = vector.bitcast %max3A : vector<32xbf16> to vector<16xi32>
        %swap3A = arith.index_cast %scan3A_256 : i32 to index
        %swap3A_401 = arith.constant 0 : index
        %swap3A_402 = tpu.vector_load %arg7[%swap3A, %swap3A_401] {strides = array<i32>} : memref<64x32xi32, #tpu.memory_space<vmem>>, vector<16xi32>,
        tpu.vector_store %arg7[%swap3A, %swap3A_401], %bitcast3A_400 {strides = array<i32>} : memref<64x32xi32, #tpu.memory_space<vmem>>, vector<16xi32>,
        %add3A_403 = arith.constant 0 : i32
        %add3A_404 = arith.addi %mul3A_258, %add3A_403 : i32
        %get3A_405 = arith.constant 1 : i32
        %get3A_406 = arith.index_cast %get3A_405 : i32 to index
        %get3A_407 = arith.index_cast %add3A_404 : i32 to index
        %get3A_408 = arith.constant 16 : index
        %get3A_409 = tpu.vector_load %arg6[%get3A_406, %get3A_407, %get3A_408] {strides = array<i32>} : memref<2x1024x32xi32, #tpu.memory_space<vmem>>, vector<16xi32>,
        %bitcast3A_410 = vector.bitcast %get3A_409 : vector<16xi32> to vector<32xbf16>
        %add3A_411 = arith.constant 1 : i32
        %add3A_412 = arith.addi %mul3A_258, %add3A_411 : i32
        %get3A_413 = arith.constant 1 : i32
        %get3A_414 = arith.index_cast %get3A_413 : i32 to index
        %get3A_415 = arith.index_cast %add3A_412 : i32 to index
        %get3A_416 = arith.constant 16 : index
        %get3A_417 = tpu.vector_load %arg6[%get3A_414, %get3A_415, %get3A_416] {strides = array<i32>} : memref<2x1024x32xi32, #tpu.memory_space<vmem>>, vector<16xi32>,
        %bitcast3A_418 = vector.bitcast %get3A_417 : vector<16xi32> to vector<32xbf16>
        %add3A_419 = arith.constant 2 : i32
        %add3A_420 = arith.addi %mul3A_258, %add3A_419 : i32
        %get3A_421 = arith.constant 1 : i32
        %get3A_422 = arith.index_cast %get3A_421 : i32 to index
        %get3A_423 = arith.index_cast %add3A_420 : i32 to index
        %get3A_424 = arith.constant 16 : index
        %get3A_425 = tpu.vector_load %arg6[%get3A_422, %get3A_423, %get3A_424] {strides = array<i32>} : memref<2x1024x32xi32, #tpu.memory_space<vmem>>, vector<16xi32>,
        %bitcast3A_426 = vector.bitcast %get3A_425 : vector<16xi32> to vector<32xbf16>
        %add3A_427 = arith.constant 3 : i32
        %add3A_428 = arith.addi %mul3A_258, %add3A_427 : i32
        %get3A_429 = arith.constant 1 : i32
        %get3A_430 = arith.index_cast %get3A_429 : i32 to index
        %get3A_431 = arith.index_cast %add3A_428 : i32 to index
        %get3A_432 = arith.constant 16 : index
        %get3A_433 = tpu.vector_load %arg6[%get3A_430, %get3A_431, %get3A_432] {strides = array<i32>} : memref<2x1024x32xi32, #tpu.memory_space<vmem>>, vector<16xi32>,
        %bitcast3A_434 = vector.bitcast %get3A_433 : vector<16xi32> to vector<32xbf16>
        %add3A_435 = arith.constant 4 : i32
        %add3A_436 = arith.addi %mul3A_258, %add3A_435 : i32
        %get3A_437 = arith.constant 1 : i32
        %get3A_438 = arith.index_cast %get3A_437 : i32 to index
        %get3A_439 = arith.index_cast %add3A_436 : i32 to index
        %get3A_440 = arith.constant 16 : index
        %get3A_441 = tpu.vector_load %arg6[%get3A_438, %get3A_439, %get3A_440] {strides = array<i32>} : memref<2x1024x32xi32, #tpu.memory_space<vmem>>, vector<16xi32>,
        %bitcast3A_442 = vector.bitcast %get3A_441 : vector<16xi32> to vector<32xbf16>
        %add3A_443 = arith.constant 5 : i32
        %add3A_444 = arith.addi %mul3A_258, %add3A_443 : i32
        %get3A_445 = arith.constant 1 : i32
        %get3A_446 = arith.index_cast %get3A_445 : i32 to index
        %get3A_447 = arith.index_cast %add3A_444 : i32 to index
        %get3A_448 = arith.constant 16 : index
        %get3A_449 = tpu.vector_load %arg6[%get3A_446, %get3A_447, %get3A_448] {strides = array<i32>} : memref<2x1024x32xi32, #tpu.memory_space<vmem>>, vector<16xi32>,
        %bitcast3A_450 = vector.bitcast %get3A_449 : vector<16xi32> to vector<32xbf16>
        %add3A_451 = arith.constant 6 : i32
        %add3A_452 = arith.addi %mul3A_258, %add3A_451 : i32
        %get3A_453 = arith.constant 1 : i32
        %get3A_454 = arith.index_cast %get3A_453 : i32 to index
        %get3A_455 = arith.index_cast %add3A_452 : i32 to index
        %get3A_456 = arith.constant 16 : index
        %get3A_457 = tpu.vector_load %arg6[%get3A_454, %get3A_455, %get3A_456] {strides = array<i32>} : memref<2x1024x32xi32, #tpu.memory_space<vmem>>, vector<16xi32>,
        %bitcast3A_458 = vector.bitcast %get3A_457 : vector<16xi32> to vector<32xbf16>
        %add3A_459 = arith.constant 7 : i32
        %add3A_460 = arith.addi %mul3A_258, %add3A_459 : i32
        %get3A_461 = arith.constant 1 : i32
        %get3A_462 = arith.index_cast %get3A_461 : i32 to index
        %get3A_463 = arith.index_cast %add3A_460 : i32 to index
        %get3A_464 = arith.constant 16 : index
        %get3A_465 = tpu.vector_load %arg6[%get3A_462, %get3A_463, %get3A_464] {strides = array<i32>} : memref<2x1024x32xi32, #tpu.memory_space<vmem>>, vector<16xi32>,
        %bitcast3A_466 = vector.bitcast %get3A_465 : vector<16xi32> to vector<32xbf16>
        %add3A_467 = arith.constant 8 : i32
        %add3A_468 = arith.addi %mul3A_258, %add3A_467 : i32
        %get3A_469 = arith.constant 1 : i32
        %get3A_470 = arith.index_cast %get3A_469 : i32 to index
        %get3A_471 = arith.index_cast %add3A_468 : i32 to index
        %get3A_472 = arith.constant 16 : index
        %get3A_473 = tpu.vector_load %arg6[%get3A_470, %get3A_471, %get3A_472] {strides = array<i32>} : memref<2x1024x32xi32, #tpu.memory_space<vmem>>, vector<16xi32>,
        %bitcast3A_474 = vector.bitcast %get3A_473 : vector<16xi32> to vector<32xbf16>
        %add3A_475 = arith.constant 9 : i32
        %add3A_476 = arith.addi %mul3A_258, %add3A_475 : i32
        %get3A_477 = arith.constant 1 : i32
        %get3A_478 = arith.index_cast %get3A_477 : i32 to index
        %get3A_479 = arith.index_cast %add3A_476 : i32 to index
        %get3A_480 = arith.constant 16 : index
        %get3A_481 = tpu.vector_load %arg6[%get3A_478, %get3A_479, %get3A_480] {strides = array<i32>} : memref<2x1024x32xi32, #tpu.memory_space<vmem>>, vector<16xi32>,
        %bitcast3A_482 = vector.bitcast %get3A_481 : vector<16xi32> to vector<32xbf16>
        %add3A_483 = arith.constant 10 : i32
        %add3A_484 = arith.addi %mul3A_258, %add3A_483 : i32
        %get3A_485 = arith.constant 1 : i32
        %get3A_486 = arith.index_cast %get3A_485 : i32 to index
        %get3A_487 = arith.index_cast %add3A_484 : i32 to index
        %get3A_488 = arith.constant 16 : index
        %get3A_489 = tpu.vector_load %arg6[%get3A_486, %get3A_487, %get3A_488] {strides = array<i32>} : memref<2x1024x32xi32, #tpu.memory_space<vmem>>, vector<16xi32>,
        %bitcast3A_490 = vector.bitcast %get3A_489 : vector<16xi32> to vector<32xbf16>
        %add3A_491 = arith.constant 11 : i32
        %add3A_492 = arith.addi %mul3A_258, %add3A_491 : i32
        %get3A_493 = arith.constant 1 : i32
        %get3A_494 = arith.index_cast %get3A_493 : i32 to index
        %get3A_495 = arith.index_cast %add3A_492 : i32 to index
        %get3A_496 = arith.constant 16 : index
        %get3A_497 = tpu.vector_load %arg6[%get3A_494, %get3A_495, %get3A_496] {strides = array<i32>} : memref<2x1024x32xi32, #tpu.memory_space<vmem>>, vector<16xi32>,
        %bitcast3A_498 = vector.bitcast %get3A_497 : vector<16xi32> to vector<32xbf16>
        %add3A_499 = arith.constant 12 : i32
        %add3A_500 = arith.addi %mul3A_258, %add3A_499 : i32
        %get3A_501 = arith.constant 1 : i32
        %get3A_502 = arith.index_cast %get3A_501 : i32 to index
        %get3A_503 = arith.index_cast %add3A_500 : i32 to index
        %get3A_504 = arith.constant 16 : index
        %get3A_505 = tpu.vector_load %arg6[%get3A_502, %get3A_503, %get3A_504] {strides = array<i32>} : memref<2x1024x32xi32, #tpu.memory_space<vmem>>, vector<16xi32>,
        %bitcast3A_506 = vector.bitcast %get3A_505 : vector<16xi32> to vector<32xbf16>
        %add3A_507 = arith.constant 13 : i32
        %add3A_508 = arith.addi %mul3A_258, %add3A_507 : i32
        %get3A_509 = arith.constant 1 : i32
        %get3A_510 = arith.index_cast %get3A_509 : i32 to index
        %get3A_511 = arith.index_cast %add3A_508 : i32 to index
        %get3A_512 = arith.constant 16 : index
        %get3A_513 = tpu.vector_load %arg6[%get3A_510, %get3A_511, %get3A_512] {strides = array<i32>} : memref<2x1024x32xi32, #tpu.memory_space<vmem>>, vector<16xi32>,
        %bitcast3A_514 = vector.bitcast %get3A_513 : vector<16xi32> to vector<32xbf16>
        %add3A_515 = arith.constant 14 : i32
        %add3A_516 = arith.addi %mul3A_258, %add3A_515 : i32
        %get3A_517 = arith.constant 1 : i32
        %get3A_518 = arith.index_cast %get3A_517 : i32 to index
        %get3A_519 = arith.index_cast %add3A_516 : i32 to index
        %get3A_520 = arith.constant 16 : index
        %get3A_521 = tpu.vector_load %arg6[%get3A_518, %get3A_519, %get3A_520] {strides = array<i32>} : memref<2x1024x32xi32, #tpu.memory_space<vmem>>, vector<16xi32>,
        %bitcast3A_522 = vector.bitcast %get3A_521 : vector<16xi32> to vector<32xbf16>
        %add3A_523 = arith.constant 15 : i32
        %add3A_524 = arith.addi %mul3A_258, %add3A_523 : i32
        %get3A_525 = arith.constant 1 : i32
        %get3A_526 = arith.index_cast %get3A_525 : i32 to index
        %get3A_527 = arith.index_cast %add3A_524 : i32 to index
        %get3A_528 = arith.constant 16 : index
        %get3A_529 = tpu.vector_load %arg6[%get3A_526, %get3A_527, %get3A_528] {strides = array<i32>} : memref<2x1024x32xi32, #tpu.memory_space<vmem>>, vector<16xi32>,
        %bitcast3A_530 = vector.bitcast %get3A_529 : vector<16xi32> to vector<32xbf16>
        %add3A_531 = arith.addf %bitcast3A_410, %bitcast3A_418 : vector<32xbf16>
        %add3A_532 = arith.addf %bitcast3A_426, %bitcast3A_434 : vector<32xbf16>
        %add3A_533 = arith.addf %bitcast3A_442, %bitcast3A_450 : vector<32xbf16>
        %add3A_534 = arith.addf %bitcast3A_458, %bitcast3A_466 : vector<32xbf16>
        %add3A_535 = arith.addf %bitcast3A_474, %bitcast3A_482 : vector<32xbf16>
        %add3A_536 = arith.addf %bitcast3A_490, %bitcast3A_498 : vector<32xbf16>
        %add3A_537 = arith.addf %bitcast3A_506, %bitcast3A_514 : vector<32xbf16>
        %add3A_538 = arith.addf %bitcast3A_522, %bitcast3A_530 : vector<32xbf16>
        %add3A_539 = arith.addf %add3A_531, %add3A_532 : vector<32xbf16>
        %add3A_540 = arith.addf %add3A_533, %add3A_534 : vector<32xbf16>
        %add3A_541 = arith.addf %add3A_535, %add3A_536 : vector<32xbf16>
        %add3A_542 = arith.addf %add3A_537, %add3A_538 : vector<32xbf16>
        %add3A_543 = arith.addf %add3A_539, %add3A_540 : vector<32xbf16>
        %add3A_544 = arith.addf %add3A_541, %add3A_542 : vector<32xbf16>
        %add3A_545 = arith.addf %add3A_543, %add3A_544 : vector<32xbf16>
        %max3A_546 = arith.maximumf %add3A_545, %broadcast_in_dim3A_249 : vector<32xbf16>
        %bitcast3A_547 = vector.bitcast %max3A_546 : vector<32xbf16> to vector<16xi32>
        %swap3A_548 = arith.index_cast %scan3A_256 : i32 to index
        %swap3A_549 = arith.constant 16 : index
        %swap3A_550 = tpu.vector_load %arg7[%swap3A_548, %swap3A_549] {strides = array<i32>} : memref<64x32xi32, #tpu.memory_space<vmem>>, vector<16xi32>,
        tpu.vector_store %arg7[%swap3A_548, %swap3A_549], %bitcast3A_547 {strides = array<i32>} : memref<64x32xi32, #tpu.memory_space<vmem>>, vector<16xi32>,
      }
      %scan3A_255 = arith.constant 64 : i32
      "tpu.region"() ({
        %run_scoped3A_256 = tpu.sem_alloc : memref<!tpu.dma_semaphore, #tpu.memory_space<semaphore_mem>>
        %dma_start3A_257 = arith.constant 0 : i32
        %dma_start3A_258 = tpu.memref_slice %arg4[%add3A_235, %dma_start3A_257] : memref<65536x32xi32, #tpu.memory_space<hbm>> -> memref<64x32xi32, #tpu.memory_space<hbm>>
        %dma_start3A_259 = arith.constant 0 : i32
        %dma_start3A_260 = tpu.memref_slice %arg4[%add3A_235, %dma_start3A_259] : memref<65536x32xi32, #tpu.memory_space<hbm>> -> memref<64x32xi32, #tpu.memory_space<hbm>>
        tpu.enqueue_dma source(%arg7 : memref<64x32xi32, #tpu.memory_space<vmem>>) target(%dma_start3A_260 : memref<64x32xi32, #tpu.memory_space<hbm>>) target_semaphore(%run_scoped3A_256 : memref<!tpu.dma_semaphore, #tpu.memory_space<semaphore_mem>>)
        %dma_wait3A_261 = arith.constant 0 : i32
        %dma_wait3A_262 = tpu.memref_slice %arg4[%add3A_235, %dma_wait3A_261] : memref<65536x32xi32, #tpu.memory_space<hbm>> -> memref<64x32xi32, #tpu.memory_space<hbm>>
        %dma_wait3A_263 = arith.constant 0 : i32
        %dma_wait3A_264 = tpu.memref_slice %arg4[%add3A_235, %dma_wait3A_263] : memref<65536x32xi32, #tpu.memory_space<hbm>> -> memref<64x32xi32, #tpu.memory_space<hbm>>
        tpu.wait_dma2 semaphore(%run_scoped3A_256 : memref<!tpu.dma_semaphore, #tpu.memory_space<semaphore_mem>>) src(%arg7 : memref<64x32xi32, #tpu.memory_space<vmem>>) dst(%dma_wait3A_264 : memref<64x32xi32, #tpu.memory_space<hbm>>)
        tpu.yield
      }) : () -> ()
    }
    %scan3A_104 = arith.constant 16 : i32
    return
  }
}

module attributes {stable_mosaic.version = 14 : i64} {
  func.func @_mm_body(%arg0: i32, %arg1: memref<1024x64xf32, #tpu.memory_space<vmem>>, %arg2: memref<64x1024xf32, #tpu.memory_space<vmem>>, %arg3: memref<1x1024xf32, #tpu.memory_space<vmem>>, %arg4: memref<1024x512xi32, #tpu.memory_space<vmem>>) attributes {dimension_semantics = [#tpu.dimension_semantics<arbitrary>], iteration_bounds = array<i64: 64>, scalar_prefetch = 0 : i64, scratch_operands = 0 : i64, tpu.core_type = #tpu.core_type<tc>, window_params = [{transform_indices = @transform_0, window_bounds = array<i64: 1024, 64>}, {pipeline_mode = #tpu.pipeline_mode<synchronous>, transform_indices = @transform_1, window_bounds = array<i64: 64, 1024>}, {pipeline_mode = #tpu.pipeline_mode<synchronous>, transform_indices = @transform_2, window_bounds = array<i64: 1, 1024>}, {transform_indices = @transform_3, window_bounds = array<i64: 1024, 512>}]} {
    %get3A = arith.constant 0 : index
    %get3A_0 = arith.constant 0 : index
    %get3A_1 = vector.load %arg1[%get3A, %get3A_0] : memref<1024x64xf32, #tpu.memory_space<vmem>>, vector<1024x64xf32>
    %get3A_2 = arith.constant 0 : index
    %get3A_3 = arith.constant 0 : index
    %get3A_4 = vector.load %arg2[%get3A_2, %get3A_3] : memref<64x1024xf32, #tpu.memory_space<vmem>>, vector<64x1024xf32>
    %dot_general3A = arith.constant dense<0.000000e+00> : vector<1024x1024xf32>
    %dot_general3A_5 = tpu.matmul %get3A_1, %get3A_4, %dot_general3A {dimension_numbers = #tpu.dot_dimension_numbers<[1], [0], [0], [1], [0, 0, 1, 1], [], []>, transpose_lhs_hint = false} : vector<1024x64xf32>, vector<64x1024xf32>, vector<1024x1024xf32> -> vector<1024x1024xf32>
    %get3A_6 = arith.constant 0 : index
    %get3A_7 = arith.constant 0 : index
    %get3A_8 = vector.load %arg3[%get3A_6, %get3A_7] : memref<1x1024xf32, #tpu.memory_space<vmem>>, vector<1x1024xf32>
    %add3A = vector.broadcast %get3A_8 : vector<1x1024xf32> to vector<1024x1024xf32>
    %add3A_9 = arith.addf %dot_general3A_5, %add3A : vector<1024x1024xf32>
    %bitcast_convert_type3A = tpu.bitcast %add3A_9 : vector<1024x1024xf32> -> vector<1024x1024xi32>
    %add3A_10 = arith.constant 32768 : i32
    %add3A_11 = vector.broadcast %add3A_10 : i32 to vector<1024x1024xi32>
    %add3A_12 = arith.addi %bitcast_convert_type3A, %add3A_11 : vector<1024x1024xi32>
    %slice3A = vector.extract_strided_slice %add3A_12 {offsets = [0, 0], sizes = [1024, 512], strides = [1, 1]} : vector<1024x1024xi32> to vector<1024x512xi32>
    %shift_right_logical3A = arith.constant 16 : i32
    %shift_right_logical3A_13 = vector.broadcast %shift_right_logical3A : i32 to vector<1024x512xi32>
    %shift_right_logical3A_14 = arith.shrui %slice3A, %shift_right_logical3A_13 : vector<1024x512xi32>
    %slice3A_15 = vector.extract_strided_slice %add3A_12 {offsets = [0, 512], sizes = [1024, 512], strides = [1, 1]} : vector<1024x1024xi32> to vector<1024x512xi32>
    %and3A = arith.constant -65536 : i32
    %and3A_16 = vector.broadcast %and3A : i32 to vector<1024x512xi32>
    %and3A_17 = arith.andi %slice3A_15, %and3A_16 : vector<1024x512xi32>
    %or3A = arith.ori %shift_right_logical3A_14, %and3A_17 : vector<1024x512xi32>
    %swap3A = arith.constant 0 : index
    %swap3A_18 = arith.constant 0 : index
    %swap3A_19 = vector.load %arg4[%swap3A, %swap3A_18] : memref<1024x512xi32, #tpu.memory_space<vmem>>, vector<1024x512xi32>
    tpu.vector_store %arg4[%swap3A, %swap3A_18], %or3A {strides = array<i32>} : memref<1024x512xi32, #tpu.memory_space<vmem>>, vector<1024x512xi32>,
    return
  }
  func.func @transform_0(%arg0: i32) -> (i32, i32) {
    %c0_i32 = arith.constant 0 : i32
    %c0_i32_0 = arith.constant 0 : i32
    return %arg0, %c0_i32 : i32, i32
  }
  func.func @transform_1(%arg0: i32) -> (i32, i32) {
    %c0_i32 = arith.constant 0 : i32
    %c0_i32_0 = arith.constant 0 : i32
    %c0_i32_1 = arith.constant 0 : i32
    return %c0_i32, %c0_i32_0 : i32, i32
  }
  func.func @transform_2(%arg0: i32) -> (i32, i32) {
    %c0_i32 = arith.constant 0 : i32
    %c0_i32_0 = arith.constant 0 : i32
    %c0_i32_1 = arith.constant 0 : i32
    return %c0_i32, %c0_i32_0 : i32, i32
  }
  func.func @transform_3(%arg0: i32) -> (i32, i32) {
    %c0_i32 = arith.constant 0 : i32
    %c0_i32_0 = arith.constant 0 : i32
    return %arg0, %c0_i32 : i32, i32
  }
}

</mosaic_0001>

<sc_bundles>
// kernel: kernel.4.cloned.1.call-start
scs
__scs_entry_jumppad:
0x0: {  	(pc) =	sbr.rel $0x88, $3  }
0x1: {  	(tag) =	ssettag $0x0;
	lr =	simm.s32 $0x1  }
0x2: {  	[smem:$0x3F9D] =	sst lr;
	_ =	strace $0xD0000000  }
0x3: {  	_ = 	snop  }
0x4: {  	_ = 	snop  }
0x5: {  	_ = 	snop  }
0x6: {  	_ = 	snop  }
0x7: {  	_ = 	snop  }
__scs_overlays_trampoline_lowered:
0x8: {  	[smem:$0x3FAC] =	sst s0  }
0x9: {  	[smem:$0x3FAD] =	sst s1  }
0xa: {  	[smem:$0x3FAE] =	sst s2  }
0xb: {  	[smem:$0x3FAF] =	sst s3  }
0xc: {  	[smem:$0x3FB0] =	sst s4  }
0xd: {  	[smem:$0x3FB1] =	sst s5  }
0xe: {  	[smem:$0x3FB2] =	sst s6  }
0xf: {  	[smem:$0x3FB3] =	sst s7  }
0x10: {  	[smem:$0x3FB4] =	sst s8  }
0x11: {  	[smem:$0x3FB5] =	sst s9;
	s0 =	simm.s32 @!p0 $0x0  }
0x12: {  	s1 =	sld [smem:$0x3F9B];
	s0 =	simm.s32 @p0 $0x1  }
0x13: {  	[smem:$0x3FB6] =	sst s0;
	s0 =	simm.s32 @!p1 $0x0  }
0x14: {  	s2 =	sld [smem:$0x3F9A];
	s0 =	simm.s32 @p1 $0x1  }
0x15: {  	[smem:$0x3FB7] =	sst s0;
	s0 =	simm.s32 @!p2 $0x0  }
0x16: {  	s3 =	sld [smem:$0x3FDB];
	s0 =	simm.s32 @p2 $0x1  }
0x17: {  	s4 =	simm.s32 $0x1BF5;
	[smem:$0x3FB9] =	sst s0  }
0x18: {  	s0 =	sld [smem:$0x3F9C];
	_ =	swait.ge [sflag:s4], $0x0  }
0x19: {  	s7 =	sld [smem:$0x3F9D]  }
0x1a: {  	s8 =	sadd.s32 $0xFFFFE003, lr  }
0x1b: {  	s9 =	sadd.s32 $0xFFFFFEF7, lr;
	s5 =	simm.s32 $0xFFFFFFFF;
	p2 =	slt.u32 s8, $0xFFFFF086  }
0x1c: {  	p1 =	slt.u32 s9, $0xF7A;
	s5 =	simm.s32 @!p2 $0x0  }
0x1d: {  	s5 =	simm.s32 @p1 $0x1;
	p0 =	seq.s32 s7, s2  }
0x1e: {  	s7 =	smul.u32 @!p0 $0xF7A, s2;
	p2 =	seq.s32 @!p0 s5, $0x0  }
0x1f: {  	s9 =	smul.u32 $0xF7A, s1;
	s8 =	simm.s32 @!p0 $0x1BF5;
	p2 =	por !p2, p0  }
0x20: {  	[sflag:s8] =	ssyncset.s32 @!p0 $0xFFFFF086;
	s6 =	sadd.s32 @!p0 s3, s7;
	s7 =	simm.s32 @!p0 $0x108  }
0x21: {  	s3 =	sadd.s32 s3, s9;
	s6 =	sadd.s32 @!p0 $0x88, s6;
	s7 =	simm.s32 @p2 $0x1082  }
0x22: {  	[simem:s7], [sflag:s8] =	dma.local @!p0 [hbm:s6], $0xF7A  }
0x23: {  	s9 =	sor.u32 $0xD0000000, s2;
	s6 =	simm.s32 $0x108;
	_ =	swait.ge @!p0 [sflag:s8], $0x0  }
0x24: {  	s3 =	sadd.s32 $0x88, s3;
	s6 =	simm.s32 @!p1 $0x1082;
	[sflag:s4] =	ssyncset.s32 $0xFFFFF086  }
0x25: {  	[simem:s6], [sflag:s4] =	dma.local [hbm:s3], $0xF7A  }
0x26: {  	[smem:$0x3F9D] =	sst s1;
	(tag) =	ssettag s2;
	_ =	strace s9  }
0x27: {  	s1 =	sld [smem:$0x3FAD]  }
0x28: {  	s2 =	sld [smem:$0x3FAE]  }
0x29: {  	s4 =	sld [smem:$0x3FB0]  }
0x2a: {  	p0 =	seq.s32 s5, $0x0;
	s5 =	sld [smem:$0x3FB1]  }
0x2b: {  	s6 =	sld [smem:$0x3FB2]  }
0x2c: {  	s7 =	sld [smem:$0x3FB3]  }
0x2d: {  	s3 =	simm.s32 $0x108;
	s8 =	sld [smem:$0x3FB4]  }
0x2e: {  	s3 =	simm.s32 @!p0 $0x1082;
	s9 =	sld [smem:$0x3FB5]  }
0x2f: {  	lr =	sadd.s32 s0, s3;
	s0 =	sld [smem:$0x3FAC]  }
0x30: {  	s3 =	sld [smem:$0x3FAF]  }
0x31: {  	[smem:$0x3FB8] =	sst s10  }
0x32: {  	s10 =	sld [smem:$0x3FB6];
	_ =	sdelay $0x3  }
0x33: {  	p0 =	seq.s32 s10, $0x1;
	s10 =	sld [smem:$0x3FB8];
	_ =	sdelay $0x3  }
0x34: {  	[smem:$0x3FB8] =	sst s10  }
0x35: {  	s10 =	sld [smem:$0x3FB7];
	_ =	sdelay $0x3  }
0x36: {  	p1 =	seq.s32 s10, $0x1;
	s10 =	sld [smem:$0x3FB8];
	_ =	sdelay $0x3  }
0x37: {  	[smem:$0x3FB8] =	sst s10  }
0x38: {  	s10 =	sld [smem:$0x3FB9]  }
0x39: {  	_ = 	snop;
	(pc) =	sbr.ind lr, $3  }
0x3a: {  	_ = 	snop  }
0x3b: {  	_ = 	snop  }
0x3c: {  	p2 =	seq.s32 s10, $0x1;
	s10 =	sld [smem:$0x3FB8]  }
0x3d: {  	_ =	shalt  }
0x3e: {  	_ =	shalt  }
0x3f: {  	_ =	shalt  }
0x40: {  	_ =	shalt  }
0x41: {  	_ =	shalt  }
0x42: {  	_ =	shalt  }
0x43: {  	_ =	shalt  }
0x44: {  	_ =	shalt  }
0x45: {  	_ =	shalt  }
0x46: {  	_ =	shalt  }
0x47: {  	_ =	shalt  }
0x48: {  	_ =	shalt  }
0x49: {  	_ =	shalt  }
0x4a: {  	_ =	shalt  }
0x4b: {  	_ =	shalt  }
0x4c: {  	_ =	shalt  }
0x4d: {  	_ =	shalt  }
0x4e: {  	_ =	shalt  }
0x4f: {  	_ =	shalt  }
0x50: {  	_ =	shalt  }
0x51: {  	_ =	shalt  }
0x52: {  	_ =	shalt  }
0x53: {  	_ =	shalt  }
0x54: {  	_ =	shalt  }
0x55: {  	_ =	shalt  }
0x56: {  	_ =	shalt  }
0x57: {  	_ =	shalt  }
0x58: {  	_ =	shalt  }
0x59: {  	_ =	shalt  }
0x5a: {  	_ =	shalt  }
0x5b: {  	_ =	shalt  }
0x5c: {  	_ =	shalt  }
0x5d: {  	_ =	shalt  }
0x5e: {  	_ =	shalt  }
0x5f: {  	_ =	shalt  }
0x60: {  	_ =	shalt  }
0x61: {  	_ =	shalt  }
0x62: {  	_ =	shalt  }
0x63: {  	_ =	shalt  }
0x64: {  	_ =	shalt  }
0x65: {  	_ =	shalt  }
0x66: {  	_ =	shalt  }
0x67: {  	_ =	shalt  }
0x68: {  	_ =	shalt  }
0x69: {  	_ =	shalt  }
0x6a: {  	_ =	shalt  }
0x6b: {  	_ =	shalt  }
0x6c: {  	_ =	shalt  }
0x6d: {  	_ =	shalt  }
0x6e: {  	_ =	shalt  }
0x6f: {  	_ =	shalt  }
0x70: {  	_ =	shalt  }
0x71: {  	_ =	shalt  }
0x72: {  	_ =	shalt  }
0x73: {  	_ =	shalt  }
0x74: {  	_ =	shalt  }
0x75: {  	_ =	shalt  }
0x76: {  	_ =	shalt  }
0x77: {  	_ =	shalt  }
0x78: {  	_ =	shalt  }
0x79: {  	_ =	shalt  }
0x7a: {  	_ =	shalt  }
0x7b: {  	_ =	shalt  }
0x7c: {  	_ =	shalt  }
0x7d: {  	_ =	shalt  }
0x7e: {  	_ =	shalt  }
0x7f: {  	_ =	shalt  }
0x80: {  	_ =	shalt  }
0x81: {  	_ =	shalt  }
0x82: {  	_ =	shalt  }
0x83: {  	_ =	shalt  }
0x84: {  	_ =	shalt  }
0x85: {  	_ =	shalt  }
0x86: {  	_ =	shalt  }
0x87: {  	_ =	shalt  }
.Lfunc_end0:
.L_simem_size_0:
called_computation.1_lowered:
.L_overlay_start_0:
0x88: {  	s2 =	sld [smem:$0x3FD9]  }
0x89: {  	s3 =	sld [smem:$0x3FFE];
	_ =	sdelay $0x1  }
0x8a: {  	s1 =	srdreg.scid  }
0x8b: {  	s0 =	sand.u32 $0x1, s1  }
0x8c: {  	s17 =	sshll.u32 s0, $0xA;
	s2 =	sadd.s32 s3, s2  }
0x8d: {  	s2 =	sadd.s32 s2, s17  }
0x8e: {  	[smem:$0x3FC4] =	sst s2  }
0x8f: {  	_ = 	snop  }
0x90: {  	s2 =	sld [smem:$0x3FD0];
	(tm) =	ssettm $0x1  }
0x91: {  	s18 =	sld [smem:$0x3FFB];
	_ =	sdelay $0x3  }
0x92: {  	_ =	strace s18  }
0x93: {  	s3 =	sld [smem:$0x3FFC];
	_ =	sdelay $0x3  }
0x94: {  	_ =	strace s3  }
0x95: {  	s3 =	sld [smem:$0x3FFD];
	_ =	sdelay $0x3  }
0x96: {  	_ =	strace s3  }
0x97: {  	_ =	strace $0x8FFFFFFF  }
0x98: {  	s19 =	sld [smem:$0x3FDB];
	_ =	sdelay $0x1  }
0x99: {  	s4 =	simm.s32 $_scs_section_size  }
0x9a: {  	s5 =	simm.s32 $_size__tile_overlayer_lowered;
	s6 =	simm.s32 $_tile_overlayer_lowered  }
0x9b: {  	s22 =	simm.s32 $0x1BFF;
	s21 =	sshll.u32 s6, $0x1;
	s3 =	sadd.s32 s4, s19  }
0x9c: {  	s7 =	simm.s32 $0x0;
	s20 =	sshll.u32 s5, $0x1;
	s5 =	sadd.s32 s21, s3  }
0x9d: {  	[timem:s7], [sflag:s22] =	dma.local [hbm:s5], s20  }
0x9e: {  	_ =	swait.ge [sflag:s22], s20  }
0x9f: {  	s4 =	ssub.s32 $0x0, s20;
	[sflag:s22] =	ssyncset.done $0x0  }
0xa0: {  	[sflag:s22] =	ssyncadd.s32 s4;
	_ =	sdelay $0x1  }
0xa1: {  	s23 =	simm.s32 $0x1B8B  }
0xa2: {  	_ =	swait.ge [sflag:s23], $0x1  }
0xa3: {  	[sflag:s23] =	ssyncset.done $0x0  }
0xa4: {  	s25 =	simm.s32 $0x1B8E;
	s24 =	sld [smem:$0x3FFE];
	[sflag:s23] =	ssyncadd.s32 $0xFFFFFFFF  }
0xa5: {  	s26 =	simm.s32 $execute0_lowered;
	[smem:$0x3FD2] =	sst s25  }
0xa6: {  	s5 =	sshll.u32 s26, $0x1;
	_ =	strace $0x80000049;
	[dreg:$0x1] =	wrdreg $0xFFFFFFFF  }
0xa7: {  	s28 =	simm.s32 $_size_execute0_lowered;
	s3 =	sadd.s32 s3, s5;
	[dreg:$0x0] =	wrdreg $0x0  }
0xa8: {  	s5 =	sshll.u32 s28, $0x1;
	[dreg:$0x2] =	wrdreg s3  }
0xa9: {  	[dreg:$0x3] =	wrdreg s5  }
0xaa: {  	[dreg:$0x4] =	wrdreg $0xC0  }
0xab: {  	_ =	task [dreg:s7], $0x5FFFF  }
0xac: {  	[dreg:$0x1] =	wrdreg $0xFFFFFFFF  }
0xad: {  	[dreg:$0x0] =	wrdreg $0x60  }
0xae: {  	[dreg:$0x2] =	wrdreg s24  }
0xaf: {  	[dreg:$0x3] =	wrdreg s2  }
0xb0: {  	[dreg:$0x4] =	wrdreg $0x9  }
0xb1: {  	_ =	task.clear_ibuf [dreg:s7], $0x5FFFF;
	_ =	strace $0x90000049  }
0xb2: {  	s29 =	simm.s32 $0x9;
	_ =	strace $0x8000004B  }
0xb3: {  	_ =	swait.ge [sflag:s29], $0x1  }
0xb4: {  	[sflag:s29] =	ssyncadd.s32 $0xFFFFFFFF  }
0xb5: {  	_ =	strace $0x9000004B  }
0xb6: {  	_ =	sfence  }
0xb7: {  	s30 =	sld [smem:$0x0];
	_ =	sdelay $0x2  }
0xb8: {  	s31 =	sshll.u32 s1, $0xD;
	s1 =	sshrl.u32 s1, $0x2  }
0xb9: {  	s3 =	sand.u32 $0x4000, s31;
	s1 =	sadd.s32 s1, s30  }
0xba: {  	s0 =	sor.u32 s3, s0;
	s1 =	sshll.u32 s1, $0x11  }
0xbb: {  	s0 =	sor.u32 s1, s0  }
0xbc: {  	s0 =	sadd.s32 $0x8F2B, s0  }
0xbd: {  	[sflag:s0] =	ssyncadd.remote.s32 $0x1  }
0xbe: {  	_ =	sfence.sel $0xFFFF  }
0xbf: {  	[dreg:$0x0] =	wrdreg $0xFFFFFFFF;
	(pc) =	sbr.abs _section_cstart, $3  }
0xc0: {  	[dreg:$0x1] =	wrdreg $0xFFFFFFFF  }
0xc1: {  	_ =	task.clear_ibuf [dreg:s7], $0x2FFFF;
	_ =	strace $0x9FFFFFFF  }
0xc2: {  	(tm) =	ssettm $0x7FFFFFFF  }
0xc3: {  	_ =	shalt  }
tec
execute0_lowered:
.L_overlay_start_1:
0x0: {  	(tag) =	ssettag $0x1  }
0x1: {  	s0 =	rddreg [dreg:$0x0]  }
0x2: {  	s1 =	rddreg [dreg:$0x1];
	s3 =	simm.s32 $0x0;
	s2 =	srdreg.scid  }
0x3: {  	s5 =	stileid.u32;
	s10 =	simm.s32 $0x3;
	s11 =	simm.s32 $0x80  }
0x4: {  	s26 =	simm.s32 $0x400;
	s12 =	simm.s32 $0xB800;
	s13 =	simm.s32 $0x600  }
0x5: {  	s14 =	simm.s32 $0xC800;
	s15 =	simm.s32 $0x680;
	s16 =	simm.s32 $0xD800  }
0x6: {  	s17 =	simm.s32 $0x700;
	s18 =	simm.s32 $0xE800;
	s19 =	simm.s32 $0x780  }
0x7: {  	s20 =	simm.s32 $0xF800;
	s21 =	simm.s32 $0x1;
	s22 =	simm.s32 $0x10800  }
0x8: {  	s23 =	simm.s32 $0x2;
	s9 =	simm.s32 $0x0;
	s2 =	sand.u32 $0x1, s2  }
0x9: {  	[smem:$0x7FF] =	sst s3;
	s7 =	sshll.u32 s5, $0x1;
	s6 =	ssub.s32 $0x2, s2  }
0xa: {  	s5 =	sadd.s32 $0x901000, s0;
	s2 =	sor.u32 s2, s7;
	s8 =	sshrl.u32 s6, $0x1  }
0xb: {  	s30 =	ssub.s32 s6, s8;
	s6 =	sshll.u32 s2, $0xB;
	s2 =	sshll.u32 s2, $0xC  }
0xc: {  	s4 =	sadd.s32 $0x501000, s0;
	_ =	strace $0x8000004A;
	s2 =	sadd.s32 s5, s2  }
0xd: {  	s8 =	sadd.s32 $0x901100, s0;
	s31 =	smax.u32 s30, $0x1;
	[dreg:$0x3] =	wrdreg s2  }
0xe: {  	v0 =	vimm.bf16 $0.0e+00;
	s0 =	simm.s32 $0xA800;
	[dreg:$0x4] =	wrdreg s31;
	s2 =	simm.s32 $0x580  }
.LBB2_1:
0xf: {  	[dreg:$0x5] =	wrdreg s9  }
0x10: {  	s7 =	rddreg [dreg:$0x3]  }
0x11: {  	[tilespmem:s3], [sflag:$0x3] =	stream.linear.gather [hbm4b:s7+s3], $0x400, $0x38;
	[tilespmem:$0x11000] =	vst v63  }
0x12: {  	_ =	swait.ge [sflag:s10], $0x400  }
0x13: {  	[sflag:s10] =	ssyncset.done $0x0  }
0x14: {  	s31 =	simm.s32 $0x800;
	[sflag:s10] =	ssyncadd.s32 $0xFFFFFC00  }
0x15: {  	[tilespmem:s31], [sflag:$0x1] =	stream.indirect.gather [hbm4b:s4+s11], $0x20, s3, s11, $0xb8;
	[tilespmem:$0x11000] =	vst v63  }
0x16: {  	s9 =	simm.s32 $0x1800  }
0x17: {  	[tilespmem:s9], [sflag:$0x1] =	stream.indirect.gather [hbm4b:s4+s11], $0x20, s11, s11, $0xb8;
	[tilespmem:$0x11000] =	vst v63  }
0x18: {  	s24 =	simm.s32 $0x100;
	s25 =	simm.s32 $0x2800  }
0x19: {  	[tilespmem:s25], [sflag:$0x1] =	stream.indirect.gather [hbm4b:s4+s11], $0x20, s24, s11, $0xb8;
	[tilespmem:$0x11000] =	vst v63  }
0x1a: {  	s28 =	simm.s32 $0x180;
	s29 =	simm.s32 $0x3800  }
0x1b: {  	[tilespmem:s29], [sflag:$0x1] =	stream.indirect.gather [hbm4b:s4+s11], $0x20, s28, s11, $0xb8;
	[tilespmem:$0x11000] =	vst v63  }
0x1c: {  	s30 =	simm.s32 $0x200;
	s31 =	simm.s32 $0x4800  }
0x1d: {  	[tilespmem:s31], [sflag:$0x1] =	stream.indirect.gather [hbm4b:s4+s11], $0x20, s30, s11, $0xb8;
	[tilespmem:$0x11000] =	vst v63  }
0x1e: {  	s24 =	simm.s32 $0x280;
	s25 =	simm.s32 $0x5800  }
0x1f: {  	[tilespmem:s25], [sflag:$0x1] =	stream.indirect.gather [hbm4b:s4+s11], $0x20, s24, s11, $0xb8;
	[tilespmem:$0x11000] =	vst v63  }
0x20: {  	s28 =	simm.s32 $0x300;
	s29 =	simm.s32 $0x6800  }
0x21: {  	[tilespmem:s29], [sflag:$0x1] =	stream.indirect.gather [hbm4b:s4+s11], $0x20, s28, s11, $0xb8;
	[tilespmem:$0x11000] =	vst v63  }
0x22: {  	s7 =	simm.s32 $0x0;
	s30 =	simm.s32 $0x380;
	s31 =	simm.s32 $0x7800  }
0x23: {  	[tilespmem:s31], [sflag:$0x1] =	stream.indirect.gather [hbm4b:s4+s11], $0x20, s30, s11, $0xb8;
	[tilespmem:$0x11000] =	vst v63  }
.LBB2_2:
0x24: {  	s9 =	sshll.u32 s7, $0x7  }
0x25: {  	s9 =	sadd.s32 s6, s9  }
0x26: {  	s25 =	sor.u32 $0x40, s9  }
0x27: {  	s24 =	sshll.u32 s25, $0x1  }
0x28: {  	s24 =	sand.u32 $0x1FFFFF80, s24  }
0x29: {  	s28 =	simm.s32 $0x0;
	s24 =	sadd.s32 s5, s24  }
0x2a: {  	[tilespmem:s26], [sflag:$0x3] =	stream.linear.gather [hbm4b:s24+s28], $0x400, $0x38;
	[tilespmem:$0x11000] =	vst v63  }
0x2b: {  	_ =	swait.ge [sflag:s10], $0x400  }
0x2c: {  	[sflag:s10] =	ssyncset.done $0x0  }
0x2d: {  	s31 =	simm.s32 $0x8800;
	[sflag:s10] =	ssyncadd.s32 $0xFFFFFC00  }
0x2e: {  	[tilespmem:s31], [sflag:$0x2] =	stream.indirect.gather [hbm4b:s4+s11], $0x20, s26, s11, $0xb8;
	[tilespmem:$0x11000] =	vst v63  }
0x2f: {  	s28 =	simm.s32 $0x9800;
	s31 =	simm.s32 $0x480  }
0x30: {  	[tilespmem:s28], [sflag:$0x2] =	stream.indirect.gather [hbm4b:s4+s11], $0x20, s31, s11, $0xb8;
	[tilespmem:$0x11000] =	vst v63  }
0x31: {  	s31 =	simm.s32 $0x500  }
0x32: {  	[tilespmem:s0], [sflag:$0x2] =	stream.indirect.gather [hbm4b:s4+s11], $0x20, s31, s11, $0xb8;
	[tilespmem:$0x11000] =	vst v63  }
0x33: {  	_ = 	snop  }
0x34: {  	[tilespmem:s12], [sflag:$0x2] =	stream.indirect.gather [hbm4b:s4+s11], $0x20, s2, s11, $0xb8;
	[tilespmem:$0x11000] =	vst v63  }
0x35: {  	_ = 	snop  }
0x36: {  	[tilespmem:s14], [sflag:$0x2] =	stream.indirect.gather [hbm4b:s4+s11], $0x20, s13, s11, $0xb8;
	[tilespmem:$0x11000] =	vst v63  }
0x37: {  	_ = 	snop  }
0x38: {  	[tilespmem:s16], [sflag:$0x2] =	stream.indirect.gather [hbm4b:s4+s11], $0x20, s15, s11, $0xb8;
	[tilespmem:$0x11000] =	vst v63  }
0x39: {  	_ = 	snop  }
0x3a: {  	[tilespmem:s18], [sflag:$0x2] =	stream.indirect.gather [hbm4b:s4+s11], $0x20, s17, s11, $0xb8;
	[tilespmem:$0x11000] =	vst v63  }
0x3b: {  	_ = 	snop  }
0x3c: {  	[tilespmem:s20], [sflag:$0x2] =	stream.indirect.gather [hbm4b:s4+s11], $0x20, s19, s11, $0xb8;
	[tilespmem:$0x11000] =	vst v63  }
0x3d: {  	_ =	swait.ge [sflag:s21], $0x8000  }
0x3e: {  	[sflag:s21] =	ssyncset.done $0x0  }
0x3f: {  	s24 =	simm.s32 $0x900;
	[sflag:s21] =	ssyncadd.s32 $0xFFFF8000  }
0x40: {  	v1 =	vld [tilespmem:s24+$0xFFFFFF00]  }
0x41: {  	v2 =	vld [tilespmem:s24+$0xE0]  }
0x42: {  	v3 =	vld [tilespmem:s24+$0xC0]  }
0x43: {  	v4 =	vld [tilespmem:s24+$0xA0]  }
0x44: {  	v5 =	vld [tilespmem:s24+$0x80]  }
0x45: {  	v6 =	vld [tilespmem:s24+$0x60]  }
0x46: {  	v7 =	vld [tilespmem:s24+$0x40]  }
0x47: {  	v8 =	vld [tilespmem:s24+$0x20]  }
0x48: {  	v9 =	vld [tilespmem:s24+$0x0]  }
0x49: {  	v10 =	vld [tilespmem:s24+$0xFFFFFFE0]  }
0x4a: {  	v11 =	vld [tilespmem:s24+$0xFFFFFFC0]  }
0x4b: {  	v12 =	vld [tilespmem:s24+$0xFFFFFFA0]  }
0x4c: {  	v13 =	vld [tilespmem:s24+$0xFFFFFF80]  }
0x4d: {  	v14 =	vld [tilespmem:s24+$0xFFFFFF60]  }
0x4e: {  	v15 =	vld [tilespmem:s24+$0xFFFFFF40]  }
0x4f: {  	v16 =	vld [tilespmem:s24+$0xFFFFFF20];
	_ =	sdelay $0x1  }
0x50: {  	v2 =	vadd.bf16 v2, v3;
	v3 =	vadd.bf16 v4, v5  }
0x51: {  	v4 =	vadd.bf16 v6, v7;
	v5 =	vadd.bf16 v8, v9  }
0x52: {  	v6 =	vadd.bf16 v10, v11;
	v7 =	vadd.bf16 v12, v13  }
0x53: {  	v8 =	vadd.bf16 v14, v15;
	v1 =	vadd.bf16 v16, v1  }
0x54: {  	v4 =	vadd.bf16 v4, v5;
	v2 =	vadd.bf16 v2, v3  }
0x55: {  	v1 =	vadd.bf16 v8, v1;
	v3 =	vadd.bf16 v6, v7;
	_ =	sdelay $0x1  }
0x56: {  	v1 =	vadd.bf16 v3, v1;
	v2 =	vadd.bf16 v2, v4;
	_ =	sdelay $0x1  }
0x57: {  	v1 =	vadd.bf16 v2, v1;
	_ =	sdelay $0x1  }
0x58: {  	s30 =	simm.s32 $0x0;
	v1 =	vmax.bf16 v1, v0  }
0x59: {  	[tilespmem:s30+$0x10800] =	vst v1  }
0x5a: {  	v3 =	vld [tilespmem:s24+$0xF0]  }
0x5b: {  	v6 =	vld [tilespmem:s24+$0xB0]  }
0x5c: {  	v12 =	vld [tilespmem:s24+$0xD0]  }
0x5d: {  	v5 =	vld [tilespmem:s24+$0xFFFFFFF0]  }
0x5e: {  	v2 =	vld [tilespmem:s24+$0x30]  }
0x5f: {  	v1 =	vld [tilespmem:s24+$0xFFFFFF30]  }
0x60: {  	v4 =	vld [tilespmem:s24+$0xFFFFFF70]  }
0x61: {  	v13 =	vld [tilespmem:s24+$0x90]  }
0x62: {  	v7 =	vld [tilespmem:s24+$0xFFFFFFB0]  }
0x63: {  	v11 =	vld [tilespmem:s24+$0xFFFFFFD0]  }
0x64: {  	v9 =	vld [tilespmem:s24+$0xFFFFFF90]  }
0x65: {  	v8 =	vld [tilespmem:s24+$0x70]  }
0x66: {  	v10 =	vld [tilespmem:s24+$0xFFFFFF50]  }
0x67: {  	s29 =	simm.s32 $0x900;
	s28 =	simm.s32 $0x80;
	v3 =	vadd.bf16 v3, v12;
	v6 =	vadd.bf16 v6, v13;
	v12 =	vld [tilespmem:s24+$0x50]  }
.LBB2_3:
0x68: {  	p0 =	sne.s32 s28, $0x1F80  }
0x69: {  	v13 =	vld [tilespmem:s24+$0x10];
	v5 =	vadd.bf16 v5, v11;
	s29 =	sadd.s32 $0x200, s29;
	s31 =	smov.u32 s28;
	s28 =	sadd.s32 $0x80, s28  }
0x6a: {  	v11 =	vld [tilespmem:s24+$0xFFFFFF10];
	s24 =	smov.u32 s29;
	_ =	sdelay $0x1  }
0x6b: {  	v7 =	vadd.bf16 v7, v9  }
0x6c: {  	v4 =	vadd.bf16 v4, v10;
	v8 =	vadd.bf16 v8, v12  }
0x6d: {  	v2 =	vadd.bf16 v2, v13  }
0x6e: {  	v5 =	vadd.bf16 v5, v7;
	v1 =	vadd.bf16 v1, v11  }
0x6f: {  	v3 =	vadd.bf16 v3, v6;
	v2 =	vadd.bf16 v8, v2  }
0x70: {  	v1 =	vadd.bf16 v4, v1  }
0x71: {  	v2 =	vadd.bf16 v3, v2  }
0x72: {  	v1 =	vadd.bf16 v5, v1;
	_ =	sdelay $0x1  }
0x73: {  	v1 =	vadd.bf16 v2, v1;
	_ =	sdelay $0x1  }
0x74: {  	v1 =	vmax.bf16 v1, v0  }
0x75: {  	[tilespmem:s30+$0x10810] =	vst v1  }
0x76: {  	v1 =	vld [tilespmem:s29+$0xFFFFFF00]  }
0x77: {  	v2 =	vld [tilespmem:s29+$0xE0]  }
0x78: {  	v3 =	vld [tilespmem:s29+$0xC0]  }
0x79: {  	v4 =	vld [tilespmem:s29+$0xA0]  }
0x7a: {  	v5 =	vld [tilespmem:s29+$0x80]  }
0x7b: {  	v6 =	vld [tilespmem:s29+$0x60]  }
0x7c: {  	v7 =	vld [tilespmem:s29+$0x40]  }
0x7d: {  	v8 =	vld [tilespmem:s29+$0x20];
	v2 =	vadd.bf16 v2, v3  }
0x7e: {  	v3 =	vld [tilespmem:s29+$0x0]  }
0x7f: {  	v9 =	vld [tilespmem:s29+$0xFFFFFFE0];
	v4 =	vadd.bf16 v4, v5  }
0x80: {  	v5 =	vld [tilespmem:s29+$0xFFFFFFC0]  }
0x81: {  	v10 =	vld [tilespmem:s29+$0xFFFFFFA0];
	v6 =	vadd.bf16 v6, v7  }
0x82: {  	v7 =	vld [tilespmem:s29+$0xFFFFFF80]  }
0x83: {  	v11 =	vld [tilespmem:s29+$0xFFFFFF60];
	v3 =	vadd.bf16 v8, v3  }
0x84: {  	v8 =	vld [tilespmem:s29+$0xFFFFFF40]  }
0x85: {  	v12 =	vld [tilespmem:s29+$0xFFFFFF20];
	v5 =	vadd.bf16 v9, v5;
	v3 =	vadd.bf16 v6, v3;
	_ =	sdelay $0x1  }
0x86: {  	v6 =	vadd.bf16 v10, v7;
	_ =	sdelay $0x1  }
0x87: {  	v7 =	vadd.bf16 v11, v8  }
0x88: {  	v1 =	vadd.bf16 v12, v1  }
0x89: {  	v2 =	vadd.bf16 v2, v4  }
0x8a: {  	v4 =	vadd.bf16 v5, v6;
	v1 =	vadd.bf16 v7, v1;
	_ =	sdelay $0x1  }
0x8b: {  	v2 =	vadd.bf16 v2, v3;
	v1 =	vadd.bf16 v4, v1;
	_ =	sdelay $0x1  }
0x8c: {  	v1 =	vadd.bf16 v2, v1;
	_ =	sdelay $0x1  }
0x8d: {  	s30 =	sshra.s32 s31, $0x2;
	v1 =	vmax.bf16 v1, v0  }
0x8e: {  	[tilespmem:s30+$0x10800] =	vst v1  }
0x8f: {  	v3 =	vld [tilespmem:s29+$0xF0]  }
0x90: {  	v6 =	vld [tilespmem:s29+$0xB0]  }
0x91: {  	v7 =	vld [tilespmem:s29+$0xD0]  }
0x92: {  	v5 =	vld [tilespmem:s29+$0xFFFFFFF0]  }
0x93: {  	v2 =	vld [tilespmem:s29+$0x30]  }
0x94: {  	v1 =	vld [tilespmem:s29+$0xFFFFFF30]  }
0x95: {  	v4 =	vld [tilespmem:s29+$0xFFFFFF70]  }
0x96: {  	v12 =	vld [tilespmem:s29+$0x90];
	v3 =	vadd.bf16 v3, v7  }
0x97: {  	v7 =	vld [tilespmem:s29+$0xFFFFFFB0]  }
.Ltmp0:
0x98: {  	v11 =	vld [tilespmem:s29+$0xFFFFFFD0];
	(pc) =	sbr.rel @p0 .LBB2_3-.Ltmp0, $4  }
0x99: {  	v9 =	vld [tilespmem:s29+$0xFFFFFF90]  }
0x9a: {  	v8 =	vld [tilespmem:s29+$0x70]  }
0x9b: {  	v10 =	vld [tilespmem:s29+$0xFFFFFF50];
	v6 =	vadd.bf16 v6, v12  }
0x9c: {  	v12 =	vld [tilespmem:s29+$0x50]  }
0x9d: {  	v13 =	vld [tilespmem:s24+$0x10]  }
0x9e: {  	v14 =	vld [tilespmem:s24+$0xFFFFFF10];
	_ =	sdelay $0x2  }
0x9f: {  	v5 =	vadd.bf16 v5, v11;
	v7 =	vadd.bf16 v7, v9  }
0xa0: {  	v4 =	vadd.bf16 v4, v10;
	v8 =	vadd.bf16 v8, v12  }
0xa1: {  	v2 =	vadd.bf16 v2, v13;
	v1 =	vadd.bf16 v1, v14  }
0xa2: {  	v3 =	vadd.bf16 v3, v6;
	v5 =	vadd.bf16 v5, v7  }
0xa3: {  	v2 =	vadd.bf16 v8, v2;
	v1 =	vadd.bf16 v4, v1;
	_ =	sdelay $0x1  }
0xa4: {  	v2 =	vadd.bf16 v3, v2;
	v1 =	vadd.bf16 v5, v1;
	_ =	sdelay $0x1  }
0xa5: {  	v1 =	vadd.bf16 v2, v1;
	_ =	sdelay $0x1  }
0xa6: {  	s31 =	sshll.u32 s9, $0x2;
	v1 =	vmax.bf16 v1, v0  }
0xa7: {  	s24 =	sadd.s32 s1, s31;
	[tilespmem:s30+$0x10810] =	vst v1  }
0xa8: {  	[hbm4b:s24+s3] =	stream.linear.scatter [tilespmem:s22], [sflag:$0x3], $0x800, $0x38;
	[tilespmem:$0x11000] =	vst v63  }
0xa9: {  	p0 =	seq.s32 s7, $0xF;
	_ =	swait.ge [sflag:s10], $0x800  }
0xaa: {  	s9 =	sshll.u32 @!p0 s9, $0x1;
	[sflag:s10] =	ssyncset.done $0x0  }
0xab: {  	s9 =	sadd.s32 @!p0 s9, s8;
	s24 =	simm.s32 @!p0 $0x0;
	[sflag:s10] =	ssyncadd.s32 $0xFFFFF800  }
0xac: {  	[tilespmem:s24], [sflag:$0x3] =	stream.linear.gather @!p0 [hbm4b:s9+s24], $0x400, $0x38;
	[tilespmem:$0x11000] =	vst v63  }
0xad: {  	s9 =	simm.s32 @!p0 $0x3  }
0xae: {  	_ =	swait.ge @!p0 [sflag:s9], $0x400  }
0xaf: {  	[sflag:s9] =	ssyncset.done @!p0 $0x0  }
0xb0: {  	s28 =	simm.s32 @!p0 $0x800;
	[sflag:s9] =	ssyncadd.s32 @!p0 $0xFFFFFC00;
	s9 =	simm.s32 @!p0 $0x80  }
0xb1: {  	[tilespmem:s28], [sflag:$0x1] =	stream.indirect.gather @!p0 [hbm4b:s4+s9], $0x20, s24, s9, $0xb8;
	[tilespmem:$0x11000] =	vst v63  }
0xb2: {  	s24 =	simm.s32 @!p0 $0x1800  }
0xb3: {  	[tilespmem:s24], [sflag:$0x1] =	stream.indirect.gather @!p0 [hbm4b:s4+s9], $0x20, s9, s9, $0xb8;
	[tilespmem:$0x11000] =	vst v63  }
0xb4: {  	s28 =	simm.s32 @!p0 $0x2800;
	s24 =	simm.s32 @!p0 $0x100  }
0xb5: {  	[tilespmem:s28], [sflag:$0x1] =	stream.indirect.gather @!p0 [hbm4b:s4+s9], $0x20, s24, s9, $0xb8;
	[tilespmem:$0x11000] =	vst v63  }
0xb6: {  	s24 =	simm.s32 @!p0 $0x180;
	s28 =	simm.s32 @!p0 $0x3800  }
0xb7: {  	[tilespmem:s28], [sflag:$0x1] =	stream.indirect.gather @!p0 [hbm4b:s4+s9], $0x20, s24, s9, $0xb8;
	[tilespmem:$0x11000] =	vst v63  }
0xb8: {  	s24 =	simm.s32 @!p0 $0x200;
	s28 =	simm.s32 @!p0 $0x4800  }
0xb9: {  	[tilespmem:s28], [sflag:$0x1] =	stream.indirect.gather @!p0 [hbm4b:s4+s9], $0x20, s24, s9, $0xb8;
	[tilespmem:$0x11000] =	vst v63  }
0xba: {  	s24 =	simm.s32 @!p0 $0x280;
	s28 =	simm.s32 @!p0 $0x5800  }
0xbb: {  	[tilespmem:s28], [sflag:$0x1] =	stream.indirect.gather @!p0 [hbm4b:s4+s9], $0x20, s24, s9, $0xb8;
	[tilespmem:$0x11000] =	vst v63  }
0xbc: {  	s24 =	simm.s32 @!p0 $0x300;
	s28 =	simm.s32 @!p0 $0x6800  }
0xbd: {  	[tilespmem:s28], [sflag:$0x1] =	stream.indirect.gather @!p0 [hbm4b:s4+s9], $0x20, s24, s9, $0xb8;
	[tilespmem:$0x11000] =	vst v63  }
0xbe: {  	s24 =	simm.s32 @!p0 $0x380;
	s28 =	simm.s32 @!p0 $0x7800  }
0xbf: {  	[tilespmem:s28], [sflag:$0x1] =	stream.indirect.gather @!p0 [hbm4b:s4+s9], $0x20, s24, s9, $0xb8;
	[tilespmem:$0x11000] =	vst v63  }
0xc0: {  	_ =	swait.ge [sflag:s23], $0x8000  }
0xc1: {  	s7 =	sadd.s32 $0x1, s7;
	[sflag:s23] =	ssyncset.done $0x0  }
0xc2: {  	s9 =	simm.s32 $0x0;
	s24 =	simm.s32 $0x10810;
	[sflag:s23] =	ssyncadd.s32 $0xFFFF8000  }
.LBB2_5:
0xc3: {  	s28 =	sshra.s32 s9, $0x2  }
0xc4: {  	v1 =	vld [tilespmem:s28+$0x8800]  }
0xc5: {  	v2 =	vld [tilespmem:s28+$0x8820]  }
0xc6: {  	v3 =	vld [tilespmem:s28+$0x8840]  }
0xc7: {  	v4 =	vld [tilespmem:s28+$0x8860]  }
0xc8: {  	v5 =	vld [tilespmem:s28+$0x8880]  }
0xc9: {  	v6 =	vld [tilespmem:s28+$0x88A0]  }
0xca: {  	v7 =	vld [tilespmem:s28+$0x88C0]  }
0xcb: {  	v8 =	vld [tilespmem:s28+$0x88E0]  }
0xcc: {  	v9 =	vld [tilespmem:s28+$0x8900]  }
0xcd: {  	v10 =	vld [tilespmem:s28+$0x8920]  }
0xce: {  	v11 =	vld [tilespmem:s28+$0x8940]  }
0xcf: {  	v12 =	vld [tilespmem:s28+$0x8960]  }
0xd0: {  	v13 =	vld [tilespmem:s28+$0x8980]  }
0xd1: {  	v14 =	vld [tilespmem:s28+$0x89A0]  }
0xd2: {  	v15 =	vld [tilespmem:s28+$0x89C0]  }
0xd3: {  	v16 =	vld [tilespmem:s28+$0x89E0];
	_ =	sdelay $0x1  }
0xd4: {  	v1 =	vadd.bf16 v2, v1;
	v2 =	vadd.bf16 v4, v3  }
0xd5: {  	v3 =	vadd.bf16 v6, v5;
	v39 =	vadd.bf16 v8, v7  }
0xd6: {  	v40 =	vadd.bf16 v10, v9;
	v41 =	vadd.bf16 v12, v11  }
0xd7: {  	v42 =	vadd.bf16 v14, v13;
	v43 =	vadd.bf16 v16, v15  }
0xd8: {  	v1 =	vadd.bf16 v2, v1;
	v2 =	vadd.bf16 v39, v3  }
0xd9: {  	v3 =	vadd.bf16 v41, v40;
	v44 =	vadd.bf16 v43, v42;
	_ =	sdelay $0x1  }
0xda: {  	v1 =	vadd.bf16 v2, v1;
	v2 =	vadd.bf16 v44, v3;
	_ =	sdelay $0x1  }
0xdb: {  	v1 =	vadd.bf16 v2, v1;
	_ =	sdelay $0x1  }
0xdc: {  	v1 =	vmax.bf16 v1, v0  }
0xdd: {  	[tilespmem:s24+$0xFFFFFFF0] =	vst v1  }
0xde: {  	v1 =	vld [tilespmem:s28+$0x8810]  }
0xdf: {  	v2 =	vld [tilespmem:s28+$0x8830]  }
0xe0: {  	v3 =	vld [tilespmem:s28+$0x8850]  }
0xe1: {  	v45 =	vld [tilespmem:s28+$0x8870]  }
0xe2: {  	v46 =	vld [tilespmem:s28+$0x8890]  }
0xe3: {  	v47 =	vld [tilespmem:s28+$0x88B0]  }
0xe4: {  	v48 =	vld [tilespmem:s28+$0x88D0]  }
0xe5: {  	v49 =	vld [tilespmem:s28+$0x88F0]  }
0xe6: {  	v50 =	vld [tilespmem:s28+$0x8910]  }
0xe7: {  	v51 =	vld [tilespmem:s28+$0x8930]  }
0xe8: {  	v52 =	vld [tilespmem:s28+$0x8950]  }
0xe9: {  	v53 =	vld [tilespmem:s28+$0x8970]  }
0xea: {  	v54 =	vld [tilespmem:s28+$0x8990]  }
0xeb: {  	v55 =	vld [tilespmem:s28+$0x89B0]  }
0xec: {  	v56 =	vld [tilespmem:s28+$0x89D0]  }
0xed: {  	v57 =	vld [tilespmem:s28+$0x89F0];
	_ =	sdelay $0x1  }
0xee: {  	v1 =	vadd.bf16 v2, v1;
	v2 =	vadd.bf16 v45, v3  }
0xef: {  	v3 =	vadd.bf16 v47, v46;
	v58 =	vadd.bf16 v49, v48  }
0xf0: {  	v59 =	vadd.bf16 v51, v50;
	v60 =	vadd.bf16 v53, v52  }
0xf1: {  	v61 =	vadd.bf16 v55, v54;
	v62 =	vadd.bf16 v57, v56  }
0xf2: {  	v1 =	vadd.bf16 v2, v1;
	v2 =	vadd.bf16 v58, v3  }
0xf3: {  	v3 =	vadd.bf16 v60, v59;
	v63 =	vadd.bf16 v62, v61;
	_ =	sdelay $0x1  }
0xf4: {  	p0 =	sne.s32 s9, $0x1F800;
	v1 =	vadd.bf16 v2, v1;
	v2 =	vadd.bf16 v63, v3  }
.Ltmp1:
0xf5: {  	_ = 	snop;
	(pc) =	sbr.rel @p0 .LBB2_5-.Ltmp1, $3  }
0xf6: {  	v1 =	vadd.bf16 v2, v1;
	_ =	sdelay $0x1  }
0xf7: {  	v1 =	vmax.bf16 v1, v0  }
0xf8: {  	s9 =	sadd.s32 $0x800, s9;
	[tilespmem:s24+$0x0] =	vst v1;
	s24 =	sadd.s32 $0x20, s24  }
0xf9: {  	s9 =	sshll.u32 s25, $0x2  }
0xfa: {  	p0 =	sne.s32 s7, $0x10;
	s9 =	sand.u32 $0x1FFFFF00, s9  }
.Ltmp2:
0xfb: {  	s9 =	sadd.s32 s1, s9;
	(pc) =	sbr.rel @p0 .LBB2_2-.Ltmp2, $4  }
0xfc: {  	[hbm4b:s9+s3] =	stream.linear.scatter [tilespmem:s22], [sflag:$0x3], $0x800, $0x38;
	[tilespmem:$0x11000] =	vst v63  }
0xfd: {  	_ =	swait.ge [sflag:s10], $0x800  }
0xfe: {  	[sflag:s10] =	ssyncset.done $0x0  }
0xff: {  	[sflag:s10] =	ssyncadd.s32 $0xFFFFF800  }
0x100: {  	s9 =	rddreg [dreg:$0x5]  }
0x101: {  	s7 =	rddreg [dreg:$0x4];
	s9 =	sadd.s32 $0x1, s9  }
0x102: {  	p0 =	sne.s32 s9, s7  }
.Ltmp3:
0x103: {  	_ = 	snop;
	(pc) =	sbr.rel @p0 .LBB2_1-.Ltmp3, $1  }
0x104: {  	_ =	sdelay $0x3  }
0x105: {  	_ =	sfence.sel $0x180000  }
0x106: {  	[bflag:$0x0] =	sbarrier.arrive $0xFFFF  }
0x107: {  	_ =	strace $0x9000004A  }
0x108: {  	s0 =	stileid.u32;
	[bflag:$0x2] =	sbarrier.arrive $0xFFFF  }
0x109: {  	p0 =	sne.s32 s0, $0x0;
	s0 =	rddreg [dreg:$0x2]  }
0x10a: {  	s0 =	sadd.s32 @!p0 $0x100000, s0  }
0x10b: {  	[sflag:s0] =	ssyncadd.tile.s32 @!p0 $0x1;
	_ =	shalt  }
.Lfunc_end2:
_tile_overlayer_lowered:
.L_overlay_start_2:
0x10c: {  	(tag) =	ssettag $0x2  }
0x10d: {  	s0 =	rddreg [dreg:$0x0];
	s2 =	stileid.u32  }
0x10e: {  	s1 =	rddreg [dreg:$0x1];
	p0 =	sne.s32 s2, $0x0  }
0x10f: {  	s3 =	rddreg [dreg:$0x2];
	[bflag:$0x3] =	sbarrier.arrive $0xFFFF;
	s2 =	simm.s32 @!p0 $0x1C03  }
0x110: {  	[timem:s3], [sflag:s2] =	dma.local @!p0 [hbm:s0], s1  }
0x111: {  	s0 =	simm.s32 @!p0 $0x3  }
0x112: {  	_ =	swait.ge @!p0 [sflag:s0], s1  }
0x113: {  	s1 =	ssub.s32 @!p0 $0x0, s1;
	[sflag:s0] =	ssyncset.done @!p0 $0x0  }
0x114: {  	[sflag:s0] =	ssyncadd.s32 @!p0 s1  }
0x115: {  	[bflag:$0x3] =	sbarrier.arrive $0xFFFF  }
0x116: {  	_ =	shalt  }

// kernel: sparse-core-data-format-call.cloned.1.call-start
scs
called_computation_lowered:
.L_overlay_start_0:
0x0: {  	s1 =	sld [smem:$0x3FD9]  }
0x1: {  	s2 =	sld [smem:$0x3FFE];
	_ =	sdelay $0x1  }
0x2: {  	s3 =	srdreg.scid  }
0x3: {  	s0 =	sand.u32 $0x1, s3  }
0x4: {  	s17 =	sshll.u32 s0, $0xA;
	s1 =	sadd.s32 s2, s1  }
0x5: {  	s1 =	sadd.s32 s1, s17  }
0x6: {  	[smem:$0x3FC4] =	sst s1  }
0x7: {  	_ = 	snop  }
0x8: {  	(tm) =	ssettm $0x1  }
0x9: {  	s18 =	sld [smem:$0x3FFB];
	_ =	sdelay $0x3  }
0xa: {  	_ =	strace s18  }
0xb: {  	s1 =	sld [smem:$0x3FFC];
	_ =	sdelay $0x3  }
0xc: {  	_ =	strace s1  }
0xd: {  	s1 =	sld [smem:$0x3FFD];
	_ =	sdelay $0x3  }
0xe: {  	_ =	strace s1  }
0xf: {  	_ =	strace $0x8FFFFFFF  }
0x10: {  	s19 =	sld [smem:$0x3FDB];
	_ =	sdelay $0x1  }
0x11: {  	s20 =	simm.s32 $_scs_section_size  }
0x12: {  	s4 =	simm.s32 $_size__tile_overlayer_lowered;
	s5 =	simm.s32 $_tile_overlayer_lowered  }
0x13: {  	s23 =	simm.s32 $0x1BFF;
	s22 =	sshll.u32 s5, $0x1;
	s1 =	sadd.s32 s20, s19  }
0x14: {  	s6 =	simm.s32 $0x0;
	s21 =	sshll.u32 s4, $0x1;
	s4 =	sadd.s32 s22, s1  }
0x15: {  	[timem:s6], [sflag:s23] =	dma.local [hbm:s4], s21  }
0x16: {  	_ =	swait.ge [sflag:s23], s21  }
0x17: {  	s2 =	ssub.s32 $0x0, s21;
	[sflag:s23] =	ssyncset.done $0x0  }
0x18: {  	[sflag:s23] =	ssyncadd.s32 s2;
	_ =	sdelay $0x1  }
0x19: {  	s24 =	simm.s32 $0x1B8B  }
0x1a: {  	_ =	swait.ge [sflag:s24], $0x1  }
0x1b: {  	[sflag:s24] =	ssyncset.done $0x0  }
0x1c: {  	s26 =	simm.s32 $0x1B8E;
	s25 =	sld [smem:$0x3FFE];
	[sflag:s24] =	ssyncadd.s32 $0xFFFFFFFF  }
0x1d: {  	s27 =	simm.s32 $execute0_lowered;
	[smem:$0x3FD2] =	sst s26  }
0x1e: {  	s4 =	sshll.u32 s27, $0x1;
	_ =	strace $0x80000046;
	[dreg:$0x1] =	wrdreg $0xFFFFFFFF  }
0x1f: {  	s28 =	simm.s32 $_size_execute0_lowered;
	s1 =	sadd.s32 s1, s4;
	[dreg:$0x0] =	wrdreg $0x0  }
0x20: {  	s4 =	sshll.u32 s28, $0x1;
	[dreg:$0x2] =	wrdreg s1  }
0x21: {  	[dreg:$0x3] =	wrdreg s4  }
0x22: {  	[dreg:$0x4] =	wrdreg $0xC0  }
0x23: {  	_ =	task [dreg:s6], $0x5FFFF  }
0x24: {  	[dreg:$0x1] =	wrdreg $0xFFFFFFFF  }
0x25: {  	[dreg:$0x0] =	wrdreg $0x60  }
0x26: {  	[dreg:$0x2] =	wrdreg s25  }
0x27: {  	[dreg:$0x3] =	wrdreg $0x9  }
0x28: {  	_ =	task.clear_ibuf [dreg:s6], $0x4FFFF;
	_ =	strace $0x90000046  }
0x29: {  	s29 =	simm.s32 $0x9;
	_ =	strace $0x80000048  }
0x2a: {  	_ =	swait.ge [sflag:s29], $0x1  }
0x2b: {  	[sflag:s29] =	ssyncadd.s32 $0xFFFFFFFF  }
0x2c: {  	_ =	strace $0x90000048  }
0x2d: {  	_ =	sfence  }
0x2e: {  	s30 =	sld [smem:$0x0];
	_ =	sdelay $0x2  }
0x2f: {  	s31 =	sshll.u32 s3, $0xD;
	s3 =	sshrl.u32 s3, $0x2  }
0x30: {  	s2 =	sand.u32 $0x4000, s31;
	s1 =	sadd.s32 s3, s30  }
0x31: {  	s0 =	sor.u32 s2, s0;
	s1 =	sshll.u32 s1, $0x11  }
0x32: {  	s0 =	sor.u32 s1, s0  }
0x33: {  	s0 =	sadd.s32 $0x8F2B, s0  }
0x34: {  	[sflag:s0] =	ssyncadd.remote.s32 $0x1  }
0x35: {  	_ =	sfence.sel $0xFFFF  }
0x36: {  	[dreg:$0x0] =	wrdreg $0xFFFFFFFF;
	(pc) =	sbr.abs _section_cstart, $3  }
0x37: {  	[dreg:$0x1] =	wrdreg $0xFFFFFFFF  }
0x38: {  	_ =	task.clear_ibuf [dreg:s6], $0x2FFFF;
	_ =	strace $0x9FFFFFFF  }
0x39: {  	(tm) =	ssettm $0x7FFFFFFF  }
tec
execute0_lowered:
.L_overlay_start_1:
0x0: {  	(tag) =	ssettag $0x1  }
0x1: {  	s0 =	srdreg.scid  }
0x2: {  	s1 =	sshll.u32 s0, $0x4  }
0x3: {  	s4 =	rddreg [dreg:$0x0];
	s0 =	stileid.u32;
	s1 =	sand.u32 $0x10, s1  }
0x4: {  	s7 =	simm.s32 $0x1;
	s8 =	simm.s32 $0x2;
	s1 =	sor.u32 s0, s1  }
0x5: {  	s9 =	simm.s32 $0x0;
	s12 =	simm.s32 $0x0;
	s2 =	sshll.u32 s1, $0x2  }
0x6: {  	s11 =	simm.s32 $0x0;
	s3 =	sadd.s32 $0x101000, s4;
	s6 =	ssub.s32 $0x2000, s2  }
.Ltmp0:
0x7: {  	s4 =	sadd.s32 $0x501000, s4;
	s5 =	sand.u32 $0x7C, s6;
	(pc) =	sbr.rel .LBB1_1-.Ltmp0, $4  }
0x8: {  	s1 =	rddreg [dreg:$0x1];
	_ =	strace $0x80000047;
	p0 =	sne.s32 s5, $0x0  }
0x9: {  	s6 =	sshrl.u32 s6, $0x7;
	s5 =	simm.s32 $0x1;
	s7 =	simm.s32 @!p0 $0x0  }
0xa: {  	s10 =	smov.u32 s2;
	[sflag:s5] =	ssyncpa.u1 $0x0;
	s6 =	sadd.s32 s7, s6  }
0xb: {  	[sflag:s8] =	ssyncpa.u1 $0x0;
	s8 =	simm.s32 $0x0;
	s7 =	sadd.s32 $0x1, s6  }
.LBB1_9:
0xc: {  	s14 =	sadd.s32 $0x80, s10  }
0xd: {  	p1 =	sgt.s32 s14, $0x1FFF  }
0xe: {  	s14 =	smov.u32 @p1 s2;
	p1 =	sne.s32 s11, s7  }
.Ltmp1:
0xf: {  	p0 =	slt.u32 s11, $0x2;
	(pc) =	sbr.rel @!p1 .LBB1_10-.Ltmp1, $4  }
0x10: {  	s13 =	simm.s32 @!p0 $0x2  }
0x11: {  	s15 =	sadd.s32 $0x1, s11;
	_ =	swait.ge @!p0 [sflag:s13], $0x4000  }
0x12: {  	s12 =	smov.u32 s10;
	s9 =	sadd.s32 $0x4000, s9;
	[sflag:s13] =	ssyncset.done @!p0 $0x0  }
0x13: {  	s11 =	smov.u32 s15;
	s10 =	smov.u32 s14;
	[sflag:s13] =	ssyncadd.s32 @!p0 $0xFFFFC000  }
.LBB1_1:
0x14: {  	p0 =	sge.u32 s11, s6  }
0x15: {  	s13 =	sxor.u32 @!p0 $0xFFFFFFFF, s11  }
0x16: {  	s31 =	sadd.s32 $0xFFFFFFFF, s11;
	s14 =	sshll.u32 @!p0 s10, $0x9;
	s13 =	sshll.u32 @!p0 s13, $0xE  }
0x17: {  	s15 =	simm.s32 @!p0 $0x0;
	s14 =	sadd.s32 @!p0 s3, s14;
	s13 =	sand.u32 @!p0 $0x4000, s13  }
0x18: {  	[tilespmem:s13], [sflag:$0x1] =	stream.linear.gather @!p0 [hbm4b:s14+s15], $0x4000, $0x38;
	[tilespmem:$0x10000] =	vst v63  }
0x19: {  	p0 =	sge.u32 s31, s6  }
.Ltmp2:
0x1a: {  	_ = 	snop;
	(pc) =	sbr.rel @p0 .LBB1_9-.Ltmp2, $1  }
0x1b: {  	_ =	sdelay $0x3  }
0x1c: {  	s14 =	sand.u32 $0x4000, s9  }
0x1d: {  	_ =	swait.ge [sflag:s5], $0x4000;
	s15 =	sshll.u32 s11, $0xE;
	s16 =	simm.s32 $0x0  }
0x1e: {  	s13 =	sor.u32 $0x40, s14;
	[sflag:s5] =	ssyncset.done $0x0;
	s15 =	sand.u32 $0x4000, s15  }
0x1f: {  	s14 =	sor.u32 $0x8040, s14;
	[sflag:s5] =	ssyncadd.s32 $0xFFFFC000;
	s15 =	sor.u32 $0x8000, s15  }
.LBB1_3:
0x20: {  	s17 =	smov.u32 s14;
	s18 =	smov.u32 s13;
	s19 =	simm.s32 $0x0  }
.LBB1_4:
0x21: {  	v0 =	vmov s17;
	v2 =	vld [tilespmem:s18+$0x30]  }
0x22: {  	v4 =	vld [tilespmem:s18+$0xFFFFFFD0]  }
0x23: {  	v6 =	vld [tilespmem:s18+$0xFFFFFFE0]  }
0x24: {  	v7 =	vld [tilespmem:s18+$0xFFFFFFF0]  }
0x25: {  	s20 =	simm.s32 $0x0;
	v1 =	vld [tilespmem:s18+$0x0]  }
0x26: {  	v3 =	vld [tilespmem:s18+$0x10];
	[tilespmem:v0+s20+$0x30 ss:$0x1] =	vst.idx.msk $0xffff, v2  }
0x27: {  	v5 =	vld [tilespmem:s18+$0x20];
	[tilespmem:v0+s20+$0xFFFFFFD0 ss:$0x1] =	vst.idx.msk $0xffff, v4  }
0x28: {  	s21 =	sadd.s32 $0x80, s18;
	v2 =	vld [tilespmem:s18+$0xFFFFFFC0];
	[tilespmem:v0+s20+$0xFFFFFFE0 ss:$0x1] =	vst.idx.msk $0xffff, v6  }
0x29: {  	s22 =	simm.s32 $0x800;
	s23 =	simm.s32 $0x1000;
	v4 =	vld [tilespmem:s21+$0x30];
	[tilespmem:v0+s20+$0xFFFFFFF0 ss:$0x1] =	vst.idx.msk $0xffff, v7  }
.LBB1_5:
0x2a: {  	p0 =	sne.s32 s23, $0x3800;
	v6 =	vld [tilespmem:s21+$0xFFFFFFD0];
	[tilespmem:v0+s20+$0x0 ss:$0x1] =	vst.idx.msk $0xffff, v1  }
0x2b: {  	v7 =	vld [tilespmem:s21+$0xFFFFFFE0];
	[tilespmem:v0+s20+$0x10 ss:$0x1] =	vst.idx.msk $0xffff, v3  }
0x2c: {  	v8 =	vld [tilespmem:s21+$0xFFFFFFF0];
	[tilespmem:v0+s20+$0x20 ss:$0x1] =	vst.idx.msk $0xffff, v5  }
.Ltmp3:
0x2d: {  	v1 =	vld [tilespmem:s21+$0x0];
	[tilespmem:v0+s20+$0xFFFFFFC0 ss:$0x1] =	vst.idx.msk $0xffff, v2;
	s20 =	sshra.s32 s22, $0x2;
	s22 =	smov.u32 s23;
	(pc) =	sbr.rel @p0 .LBB1_5-.Ltmp3, $4  }
0x2e: {  	v3 =	vld [tilespmem:s21+$0x10];
	[tilespmem:v0+s20+$0x30 ss:$0x1] =	vst.idx.msk $0xffff, v4  }
0x2f: {  	[tilespmem:v0+s20+$0xFFFFFFD0 ss:$0x1] =	vst.idx.msk $0xffff, v6;
	v5 =	vld [tilespmem:s21+$0x20]  }
0x30: {  	v2 =	vld [tilespmem:s21+$0xFFFFFFC0];
	[tilespmem:v0+s20+$0xFFFFFFE0 ss:$0x1] =	vst.idx.msk $0xffff, v7;
	s21 =	sadd.s32 $0x80, s21  }
0x31: {  	s23 =	sadd.s32 $0x800, s23;
	v4 =	vld [tilespmem:s21+$0x30];
	[tilespmem:v0+s20+$0xFFFFFFF0 ss:$0x1] =	vst.idx.msk $0xffff, v8  }
0x32: {  	_ =	sdelay $0x3  }
0x33: {  	v6 =	vld [tilespmem:s21+$0xFFFFFFD0];
	[tilespmem:v0+s20+$0x0 ss:$0x1] =	vst.idx.msk $0xffff, v1  }
0x34: {  	v58 =	vld [tilespmem:s21+$0xFFFFFFE0];
	[tilespmem:v0+s20+$0x10 ss:$0x1] =	vst.idx.msk $0xffff, v3  }
0x35: {  	v59 =	vld [tilespmem:s21+$0xFFFFFFF0];
	[tilespmem:v0+s20+$0x20 ss:$0x1] =	vst.idx.msk $0xffff, v5  }
0x36: {  	s22 =	sshra.s32 s22, $0x2;
	v60 =	vld [tilespmem:s21+$0x0];
	[tilespmem:v0+s20+$0xFFFFFFC0 ss:$0x1] =	vst.idx.msk $0xffff, v2  }
0x37: {  	v61 =	vld [tilespmem:s21+$0x10];
	[tilespmem:v0+s22+$0x30 ss:$0x1] =	vst.idx.msk $0xffff, v4  }
0x38: {  	v62 =	vld [tilespmem:s21+$0x20];
	s19 =	sadd.s32 $0x1, s19;
	[tilespmem:v0+s22+$0xFFFFFFD0 ss:$0x1] =	vst.idx.msk $0xffff, v6  }
0x39: {  	v63 =	vld [tilespmem:s21+$0xFFFFFFC0];
	p0 =	sne.s32 s19, $0x4;
	[tilespmem:v0+s22+$0xFFFFFFE0 ss:$0x1] =	vst.idx.msk $0xffff, v58  }
.Ltmp4:
0x3a: {  	[tilespmem:v0+s22+$0xFFFFFFF0 ss:$0x1] =	vst.idx.msk $0xffff, v59;
	(pc) =	sbr.rel @p0 .LBB1_4-.Ltmp4, $4  }
0x3b: {  	[tilespmem:v0+s22+$0x0 ss:$0x1] =	vst.idx.msk $0xffff, v60  }
0x3c: {  	[tilespmem:v0+s22+$0x10 ss:$0x1] =	vst.idx.msk $0xffff, v61  }
0x3d: {  	[tilespmem:v0+s22+$0x20 ss:$0x1] =	vst.idx.msk $0xffff, v62  }
0x3e: {  	s18 =	sadd.s32 $0x400, s18;
	s17 =	sadd.s32 $0x80, s17;
	[tilespmem:v0+s22+$0xFFFFFFC0 ss:$0x1] =	vst.idx.msk $0xffff, v63  }
0x3f: {  	s16 =	sadd.s32 $0x1, s16  }
0x40: {  	p0 =	sne.s32 s16, $0x4  }
.Ltmp5:
0x41: {  	_ = 	snop;
	(pc) =	sbr.rel @p0 .LBB1_3-.Ltmp5, $2  }
0x42: {  	_ =	sdelay $0x2  }
0x43: {  	s13 =	sadd.s32 $0x1000, s13;
	s14 =	sadd.s32 $0x1000, s14  }
.Ltmp6:
0x44: {  	(pc) =	sbr.rel .LBB1_9-.Ltmp6, $4  }
0x45: {  	_ = 	snop  }
0x46: {  	s12 =	sshll.u32 s12, $0x9  }
0x47: {  	s12 =	sadd.s32 s4, s12  }
0x48: {  	[hbm4b:s12+s8] =	stream.linear.scatter [tilespmem:s15], [sflag:$0x2], $0x4000, $0x38;
	[tilespmem:$0x10000] =	vst v63  }
.LBB1_10:
0x49: {  	_ =	sfence.sel $0x180000  }
0x4a: {  	s2 =	simm.s32 $0x1;
	[bflag:$0x0] =	sbarrier.arrive $0xFFFF  }
0x4b: {  	s31 =	simm.s32 $0x2;
	[sflag:s2] =	ssyncpa.u1 $0x1  }
0x4c: {  	[sflag:s31] =	ssyncpa.u1 $0x1  }
0x4d: {  	p0 =	sne.s32 s0, $0x0;
	_ =	strace $0x90000047  }
0x4e: {  	s0 =	sadd.s32 @!p0 $0x100000, s1;
	[bflag:$0x2] =	sbarrier.arrive $0xFFFF  }
0x4f: {  	[sflag:s0] =	ssyncadd.tile.s32 @!p0 $0x1;
	_ =	shalt  }
.Lfunc_end1:
_tile_overlayer_lowered:
.L_overlay_start_2:
0x50: {  	(tag) =	ssettag $0x2  }
0x51: {  	s0 =	rddreg [dreg:$0x0];
	s2 =	stileid.u32  }
0x52: {  	s1 =	rddreg [dreg:$0x1];
	p0 =	sne.s32 s2, $0x0  }
0x53: {  	s3 =	rddreg [dreg:$0x2];
	[bflag:$0x3] =	sbarrier.arrive $0xFFFF;
	s2 =	simm.s32 @!p0 $0x1C01  }
0x54: {  	[timem:s3], [sflag:s2] =	dma.local @!p0 [hbm:s0], s1  }
0x55: {  	s0 =	simm.s32 @!p0 $0x1  }
0x56: {  	_ =	swait.ge @!p0 [sflag:s0], s1  }
0x57: {  	s1 =	ssub.s32 @!p0 $0x0, s1;
	[sflag:s0] =	ssyncset.done @!p0 $0x0  }
0x58: {  	[sflag:s0] =	ssyncadd.s32 @!p0 s1  }
0x59: {  	[bflag:$0x3] =	sbarrier.arrive $0xFFFF  }
0x5a: {  	_ =	shalt  }

</sc_bundles>
